<compile_context>
chip_gen: v7x
topology: tpu7x:2x2x1
jax: 0.10.2.dev20260603
libtpu: 0.0.44.dev20260713+nightly
codegen_flags: <defaults>
</compile_context>

<pallas_src>
import functools

import jax
import jax.numpy as jnp
from jax import lax
from jax.experimental import pallas as pl
from jax.experimental.pallas import tpu as pltpu
from jax.experimental.pallas import tpu_sc as plsc

BATCH = 16384
FACTOR = 32

NUM_CORES = 2
NUM_SUBCORES = 16
NUM_WORKERS = NUM_CORES * NUM_SUBCORES
BPW = BATCH // NUM_WORKERS
WAVE = 256
NWAVE = BPW // WAVE


def _sc_gather(user, item, embed_user, embed_item):
    mesh = plsc.VectorSubcoreMesh(
        core_axis_name="c", subcore_axis_name="s",
        num_cores=NUM_CORES, num_subcores=NUM_SUBCORES)

    @functools.partial(
        pl.kernel,
        out_type=(
            jax.ShapeDtypeStruct((BATCH, FACTOR), jnp.float32),
            jax.ShapeDtypeStruct((BATCH, FACTOR), jnp.float32),
        ),
        mesh=mesh,
        scratch_types=[
            pltpu.VMEM((BPW,), jnp.int32),
            pltpu.VMEM((BPW,), jnp.int32),
            pltpu.VMEM((WAVE, FACTOR), jnp.float32),
            pltpu.VMEM((WAVE, FACTOR), jnp.float32),
            pltpu.SemaphoreType.DMA,
            pltpu.SemaphoreType.DMA,
        ],
    )
    def k(user_hbm, item_hbm, eu_hbm, ei_hbm, uout_hbm, vout_hbm,
          uidx_v, iidx_v, urows_v, vrows_v, usem, vsem):
        wid = lax.axis_index("s") * NUM_CORES + lax.axis_index("c")
        base = wid * BPW
        pltpu.sync_copy(user_hbm.at[pl.ds(base, BPW)], uidx_v)
        pltpu.sync_copy(item_hbm.at[pl.ds(base, BPW)], iidx_v)

        def wave(w, carry):
            def body(g, carry):
                uvec = uidx_v[pl.ds(w * WAVE + g * 16, 16)]
                ivec = iidx_v[pl.ds(w * WAVE + g * 16, 16)]
                for j in range(16):
                    r = g * 16 + j
                    pltpu.async_copy(eu_hbm.at[pl.ds(uvec[j], 1)],
                                     urows_v.at[pl.ds(r, 1)], usem)
                    pltpu.async_copy(ei_hbm.at[pl.ds(ivec[j], 1)],
                                     vrows_v.at[pl.ds(r, 1)], vsem)
                return carry

            lax.fori_loop(0, WAVE // 16, body, 0)
            pltpu.make_async_copy(
                uout_hbm.at[pl.ds(0, WAVE)], urows_v, usem).wait()
            pltpu.make_async_copy(
                vout_hbm.at[pl.ds(0, WAVE)], vrows_v, vsem).wait()
            ob = base + w * WAVE
            pltpu.sync_copy(urows_v, uout_hbm.at[pl.ds(ob, WAVE)])
            pltpu.sync_copy(vrows_v, vout_hbm.at[pl.ds(ob, WAVE)])
            return carry

        lax.fori_loop(0, NWAVE, wave, 0)

    return k(user, item, embed_user, embed_item)


def _tc_body(u_ref, v_ref, w_ref, b_ref, o_ref):
    prod = u_ref[...] * v_ref[...]
    logits = jax.lax.dot_general(
        prod, w_ref[...], (((1,), (0,)), ((), ())),
        preferred_element_type=jnp.float32) + b_ref[0]
    o_ref[...] = jax.nn.sigmoid(logits)


def _tc_epilogue(u_rows, v_rows, W, b):
    grid = 8
    blk = BATCH // grid
    out = pl.pallas_call(
        _tc_body,
        grid=(grid,),
        in_specs=[
            pl.BlockSpec((blk, FACTOR), lambda i: (i, 0)),
            pl.BlockSpec((blk, FACTOR), lambda i: (i, 0)),
            pl.BlockSpec((FACTOR, 1), lambda i: (0, 0)),
            pl.BlockSpec(memory_space=pltpu.SMEM),
        ],
        out_specs=pl.BlockSpec((blk, 1), lambda i: (i, 0)),
        out_shape=jax.ShapeDtypeStruct((BATCH, 1), jnp.float32),
    )(u_rows, v_rows, W, b)
    return out.reshape(-1)


@jax.jit
def kernel(user, item, embed_user, embed_item, W, b):
    u_rows, v_rows = _sc_gather(user, item, embed_user, embed_item)
    return _tc_epilogue(u_rows, v_rows, W, b)

# --- scband reference (transcript-rebuilt; emitter-appended) ---
"""Pipeline reference for scband-gmf-64158221467935 (READ-ONLY COPY).

The authoritative reference and input builder live on the scoring server;
editing this copy changes nothing except your own understanding.
"""

import jax, jax.numpy as jnp
import numpy as np

USER_NUM = 1000000
ITEM_NUM = 100000
FACTOR_NUM = 32
BATCH = 16384


def setup_inputs(seed: int = 0) -> dict:
    key = jax.random.key(seed)
    k1, k2, k3, k4, k5, k6 = jax.random.split(key, 6)
    user = jax.random.randint(k1, (BATCH,), 0, USER_NUM, dtype=jnp.int64 if jax.config.jax_enable_x64 else jnp.int32)
    item = jax.random.randint(k2, (BATCH,), 0, ITEM_NUM, dtype=jnp.int64 if jax.config.jax_enable_x64 else jnp.int32)
    embed_user = 0.01 * jax.random.normal(k3, (USER_NUM, FACTOR_NUM), dtype=jnp.float32)
    embed_item = 0.01 * jax.random.normal(k4, (ITEM_NUM, FACTOR_NUM), dtype=jnp.float32)
    W = 0.01 * jax.random.normal(k5, (FACTOR_NUM, 1), dtype=jnp.float32)
    b = jnp.zeros((1,), dtype=jnp.float32)
    return {"user": user, "item": item, "embed_user": embed_user, "embed_item": embed_item, "W": W, "b": b}


def reference(user, item, embed_user, embed_item, W, b):
    # embedding lookups
    u = jnp.take(embed_user, user, axis=0)        # [B, F]
    v = jnp.take(embed_item, item, axis=0)        # [B, F]
    output_gmf = u * v                            # [B, F]
    logits = output_gmf @ W + b                   # [B, 1]
    prediction = jax.nn.sigmoid(logits)
    return prediction.reshape(-1)

if __name__ == "__main__":
    import jax
    _d = setup_inputs()
    print(jax.jit(kernel)(*tuple(_d.values())))

</pallas_src>

<mosaic_0001>
#map = affine_map<(d0, d1) -> (0)>
#map1 = affine_map<(d0, d1) -> (0, 0)>
module attributes {stable_mosaic.version = 14 : i64} {
  func.func @k(%arg0: i32, %arg1: i32, %arg2: memref<16384xi32, #tpu.memory_space<hbm>>, %arg3: memref<16384xi32, #tpu.memory_space<hbm>>, %arg4: memref<1000000x32xf32, #tpu.memory_space<hbm>>, %arg5: memref<100000x32xf32, #tpu.memory_space<hbm>>, %arg6: memref<16384x32xf32, #tpu.memory_space<hbm>>, %arg7: memref<16384x32xf32, #tpu.memory_space<hbm>>, %arg8: memref<512xi32, #tpu.memory_space<vmem>>, %arg9: memref<512xi32, #tpu.memory_space<vmem>>, %arg10: memref<256x32xf32, #tpu.memory_space<vmem>>, %arg11: memref<256x32xf32, #tpu.memory_space<vmem>>, %arg12: memref<!tpu.dma_semaphore, #tpu.memory_space<semaphore_mem>>, %arg13: memref<!tpu.dma_semaphore, #tpu.memory_space<semaphore_mem>>) attributes {dimension_semantics = [#tpu.dimension_semantics<core_parallel>, #tpu.dimension_semantics<subcore_parallel>], iteration_bounds = array<i64: 2, 16>, scalar_prefetch = 0 : i64, scratch_operands = 6 : i64, tpu.core_type = #tpu.core_type<sc_vector_subcore>, window_params = [{transform_indices = #map}, {transform_indices = #map}, {transform_indices = #map1}, {transform_indices = #map1}, {transform_indices = #map1}, {transform_indices = #map1}]} {
    %mul3A = arith.constant 2 : i32
    %mul3A_0 = arith.muli %arg1, %mul3A : i32
    %add3A = arith.addi %mul3A_0, %arg0 : i32
    %mul3A_1 = arith.constant 512 : i32
    %mul3A_2 = arith.muli %add3A, %mul3A_1 : i32
    "tpu.region"() ({
      %run_scoped3A = tpu.sem_alloc : memref<!tpu.dma_semaphore, #tpu.memory_space<semaphore_mem>>
      %dma_start3A = tpu.memref_slice %arg2[%mul3A_2] : memref<16384xi32, #tpu.memory_space<hbm>> -> memref<512xi32, #tpu.memory_space<hbm>>
      %dma_start3A_8 = tpu.memref_slice %arg2[%mul3A_2] : memref<16384xi32, #tpu.memory_space<hbm>> -> memref<512xi32, #tpu.memory_space<hbm>>
      tpu.enqueue_dma source(%dma_start3A_8 : memref<512xi32, #tpu.memory_space<hbm>>) target(%arg8 : memref<512xi32, #tpu.memory_space<vmem>>) target_semaphore(%run_scoped3A : memref<!tpu.dma_semaphore, #tpu.memory_space<semaphore_mem>>)
      %dma_wait3A = tpu.memref_slice %arg2[%mul3A_2] : memref<16384xi32, #tpu.memory_space<hbm>> -> memref<512xi32, #tpu.memory_space<hbm>>
      %dma_wait3A_9 = tpu.memref_slice %arg2[%mul3A_2] : memref<16384xi32, #tpu.memory_space<hbm>> -> memref<512xi32, #tpu.memory_space<hbm>>
      tpu.wait_dma2 semaphore(%run_scoped3A : memref<!tpu.dma_semaphore, #tpu.memory_space<semaphore_mem>>) src(%dma_wait3A_9 : memref<512xi32, #tpu.memory_space<hbm>>) dst(%arg8 : memref<512xi32, #tpu.memory_space<vmem>>)
      tpu.yield
    }) : () -> ()
    "tpu.region"() ({
      %run_scoped3A = tpu.sem_alloc : memref<!tpu.dma_semaphore, #tpu.memory_space<semaphore_mem>>
      %dma_start3A = tpu.memref_slice %arg3[%mul3A_2] : memref<16384xi32, #tpu.memory_space<hbm>> -> memref<512xi32, #tpu.memory_space<hbm>>
      %dma_start3A_8 = tpu.memref_slice %arg3[%mul3A_2] : memref<16384xi32, #tpu.memory_space<hbm>> -> memref<512xi32, #tpu.memory_space<hbm>>
      tpu.enqueue_dma source(%dma_start3A_8 : memref<512xi32, #tpu.memory_space<hbm>>) target(%arg9 : memref<512xi32, #tpu.memory_space<vmem>>) target_semaphore(%run_scoped3A : memref<!tpu.dma_semaphore, #tpu.memory_space<semaphore_mem>>)
      %dma_wait3A = tpu.memref_slice %arg3[%mul3A_2] : memref<16384xi32, #tpu.memory_space<hbm>> -> memref<512xi32, #tpu.memory_space<hbm>>
      %dma_wait3A_9 = tpu.memref_slice %arg3[%mul3A_2] : memref<16384xi32, #tpu.memory_space<hbm>> -> memref<512xi32, #tpu.memory_space<hbm>>
      tpu.wait_dma2 semaphore(%run_scoped3A : memref<!tpu.dma_semaphore, #tpu.memory_space<semaphore_mem>>) src(%dma_wait3A_9 : memref<512xi32, #tpu.memory_space<hbm>>) dst(%arg9 : memref<512xi32, #tpu.memory_space<vmem>>)
      tpu.yield
    }) : () -> ()
    %scan3A = arith.constant 0 : i32
    %scan3A_3 = arith.constant 0 : i32
    %scan3A_4 = arith.constant 2 : i32
    %scan3A_5 = arith.addi %scan3A_3, %scan3A_4 : i32
    %scan3A_6 = arith.constant 1 : i32
    scf.for %scan3A_8 = %scan3A_3 to %scan3A_5 step %scan3A_6  : i32 {
      %scan3A_9 = arith.constant 0 : i32
      %scan3A_10 = arith.constant 0 : i32
      %scan3A_11 = arith.constant 16 : i32
      %scan3A_12 = arith.addi %scan3A_10, %scan3A_11 : i32
      %scan3A_13 = arith.constant 1 : i32
      scf.for %scan3A_29 = %scan3A_10 to %scan3A_12 step %scan3A_13  : i32 {
        %mul3A_30 = arith.constant 256 : i32
        %mul3A_31 = arith.muli %scan3A_8, %mul3A_30 : i32
        %mul3A_32 = arith.constant 16 : i32
        %mul3A_33 = arith.muli %scan3A_29, %mul3A_32 : i32
        %add3A_34 = arith.addi %mul3A_31, %mul3A_33 : i32
        %get3A = arith.index_cast %add3A_34 : i32 to index
        %get3A_35 = tpu.vector_load %arg8[%get3A] {strides = array<i32>} : memref<512xi32, #tpu.memory_space<vmem>>, vector<16xi32>,
        %get3A_36 = vector.shape_cast %get3A_35 : vector<16xi32> to vector<16xi32>
        %mul3A_37 = arith.constant 256 : i32
        %mul3A_38 = arith.muli %scan3A_8, %mul3A_37 : i32
        %mul3A_39 = arith.constant 16 : i32
        %mul3A_40 = arith.muli %scan3A_29, %mul3A_39 : i32
        %add3A_41 = arith.addi %mul3A_38, %mul3A_40 : i32
        %get3A_42 = arith.index_cast %add3A_41 : i32 to index
        %get3A_43 = tpu.vector_load %arg9[%get3A_42] {strides = array<i32>} : memref<512xi32, #tpu.memory_space<vmem>>, vector<16xi32>,
        %get3A_44 = vector.shape_cast %get3A_43 : vector<16xi32> to vector<16xi32>
        %mul3A_45 = arith.constant 16 : i32
        %mul3A_46 = arith.muli %scan3A_29, %mul3A_45 : i32
        %add3A_47 = arith.constant 0 : i32
        %add3A_48 = arith.addi %mul3A_46, %add3A_47 : i32
        %slice3A = vector.extract_strided_slice %get3A_36 {offsets = [0], sizes = [1], strides = [1]} : vector<16xi32> to vector<1xi32>
        %squeeze3A = vector.extract %slice3A[0] : i32 from vector<1xi32>
        %dma_start3A = arith.constant 0 : i32
        %dma_start3A_49 = tpu.memref_slice %arg10[%add3A_48, %dma_start3A] : memref<256x32xf32, #tpu.memory_space<vmem>> -> memref<1x32xf32, #tpu.memory_space<vmem>>
        %dma_start3A_50 = arith.constant 0 : i32
        %dma_start3A_51 = tpu.memref_slice %arg4[%squeeze3A, %dma_start3A_50] : memref<1000000x32xf32, #tpu.memory_space<hbm>> -> memref<1x32xf32, #tpu.memory_space<hbm>>
        %dma_start3A_52 = arith.constant 0 : i32
        %dma_start3A_53 = tpu.memref_slice %arg10[%add3A_48, %dma_start3A_52] : memref<256x32xf32, #tpu.memory_space<vmem>> -> memref<1x32xf32, #tpu.memory_space<vmem>>
        %dma_start3A_54 = arith.constant 0 : i32
        %dma_start3A_55 = tpu.memref_slice %arg4[%squeeze3A, %dma_start3A_54] : memref<1000000x32xf32, #tpu.memory_space<hbm>> -> memref<1x32xf32, #tpu.memory_space<hbm>>
        tpu.enqueue_dma source(%dma_start3A_55 : memref<1x32xf32, #tpu.memory_space<hbm>>) target(%dma_start3A_53 : memref<1x32xf32, #tpu.memory_space<vmem>>) target_semaphore(%arg12 : memref<!tpu.dma_semaphore, #tpu.memory_space<semaphore_mem>>)
        %slice3A_56 = vector.extract_strided_slice %get3A_44 {offsets = [0], sizes = [1], strides = [1]} : vector<16xi32> to vector<1xi32>
        %squeeze3A_57 = vector.extract %slice3A_56[0] : i32 from vector<1xi32>
        %dma_start3A_58 = arith.constant 0 : i32
        %dma_start3A_59 = tpu.memref_slice %arg11[%add3A_48, %dma_start3A_58] : memref<256x32xf32, #tpu.memory_space<vmem>> -> memref<1x32xf32, #tpu.memory_space<vmem>>
        %dma_start3A_60 = arith.constant 0 : i32
        %dma_start3A_61 = tpu.memref_slice %arg5[%squeeze3A_57, %dma_start3A_60] : memref<100000x32xf32, #tpu.memory_space<hbm>> -> memref<1x32xf32, #tpu.memory_space<hbm>>
        %dma_start3A_62 = arith.constant 0 : i32
        %dma_start3A_63 = tpu.memref_slice %arg11[%add3A_48, %dma_start3A_62] : memref<256x32xf32, #tpu.memory_space<vmem>> -> memref<1x32xf32, #tpu.memory_space<vmem>>
        %dma_start3A_64 = arith.constant 0 : i32
        %dma_start3A_65 = tpu.memref_slice %arg5[%squeeze3A_57, %dma_start3A_64] : memref<100000x32xf32, #tpu.memory_space<hbm>> -> memref<1x32xf32, #tpu.memory_space<hbm>>
        tpu.enqueue_dma source(%dma_start3A_65 : memref<1x32xf32, #tpu.memory_space<hbm>>) target(%dma_start3A_63 : memref<1x32xf32, #tpu.memory_space<vmem>>) target_semaphore(%arg13 : memref<!tpu.dma_semaphore, #tpu.memory_space<semaphore_mem>>)
        %mul3A_66 = arith.constant 16 : i32
        %mul3A_67 = arith.muli %scan3A_29, %mul3A_66 : i32
        %add3A_68 = arith.constant 1 : i32
        %add3A_69 = arith.addi %mul3A_67, %add3A_68 : i32
        %slice3A_70 = vector.extract_strided_slice %get3A_36 {offsets = [1], sizes = [1], strides = [1]} : vector<16xi32> to vector<1xi32>
        %squeeze3A_71 = vector.extract %slice3A_70[0] : i32 from vector<1xi32>
        %dma_start3A_72 = arith.constant 0 : i32
        %dma_start3A_73 = tpu.memref_slice %arg10[%add3A_69, %dma_start3A_72] : memref<256x32xf32, #tpu.memory_space<vmem>> -> memref<1x32xf32, #tpu.memory_space<vmem>>
        %dma_start3A_74 = arith.constant 0 : i32
        %dma_start3A_75 = tpu.memref_slice %arg4[%squeeze3A_71, %dma_start3A_74] : memref<1000000x32xf32, #tpu.memory_space<hbm>> -> memref<1x32xf32, #tpu.memory_space<hbm>>
        %dma_start3A_76 = arith.constant 0 : i32
        %dma_start3A_77 = tpu.memref_slice %arg10[%add3A_69, %dma_start3A_76] : memref<256x32xf32, #tpu.memory_space<vmem>> -> memref<1x32xf32, #tpu.memory_space<vmem>>
        %dma_start3A_78 = arith.constant 0 : i32
        %dma_start3A_79 = tpu.memref_slice %arg4[%squeeze3A_71, %dma_start3A_78] : memref<1000000x32xf32, #tpu.memory_space<hbm>> -> memref<1x32xf32, #tpu.memory_space<hbm>>
        tpu.enqueue_dma source(%dma_start3A_79 : memref<1x32xf32, #tpu.memory_space<hbm>>) target(%dma_start3A_77 : memref<1x32xf32, #tpu.memory_space<vmem>>) target_semaphore(%arg12 : memref<!tpu.dma_semaphore, #tpu.memory_space<semaphore_mem>>)
        %slice3A_80 = vector.extract_strided_slice %get3A_44 {offsets = [1], sizes = [1], strides = [1]} : vector<16xi32> to vector<1xi32>
        %squeeze3A_81 = vector.extract %slice3A_80[0] : i32 from vector<1xi32>
        %dma_start3A_82 = arith.constant 0 : i32
        %dma_start3A_83 = tpu.memref_slice %arg11[%add3A_69, %dma_start3A_82] : memref<256x32xf32, #tpu.memory_space<vmem>> -> memref<1x32xf32, #tpu.memory_space<vmem>>
        %dma_start3A_84 = arith.constant 0 : i32
        %dma_start3A_85 = tpu.memref_slice %arg5[%squeeze3A_81, %dma_start3A_84] : memref<100000x32xf32, #tpu.memory_space<hbm>> -> memref<1x32xf32, #tpu.memory_space<hbm>>
        %dma_start3A_86 = arith.constant 0 : i32
        %dma_start3A_87 = tpu.memref_slice %arg11[%add3A_69, %dma_start3A_86] : memref<256x32xf32, #tpu.memory_space<vmem>> -> memref<1x32xf32, #tpu.memory_space<vmem>>
        %dma_start3A_88 = arith.constant 0 : i32
        %dma_start3A_89 = tpu.memref_slice %arg5[%squeeze3A_81, %dma_start3A_88] : memref<100000x32xf32, #tpu.memory_space<hbm>> -> memref<1x32xf32, #tpu.memory_space<hbm>>
        tpu.enqueue_dma source(%dma_start3A_89 : memref<1x32xf32, #tpu.memory_space<hbm>>) target(%dma_start3A_87 : memref<1x32xf32, #tpu.memory_space<vmem>>) target_semaphore(%arg13 : memref<!tpu.dma_semaphore, #tpu.memory_space<semaphore_mem>>)
        %mul3A_90 = arith.constant 16 : i32
        %mul3A_91 = arith.muli %scan3A_29, %mul3A_90 : i32
        %add3A_92 = arith.constant 2 : i32
        %add3A_93 = arith.addi %mul3A_91, %add3A_92 : i32
        %slice3A_94 = vector.extract_strided_slice %get3A_36 {offsets = [2], sizes = [1], strides = [1]} : vector<16xi32> to vector<1xi32>
        %squeeze3A_95 = vector.extract %slice3A_94[0] : i32 from vector<1xi32>
        %dma_start3A_96 = arith.constant 0 : i32
        %dma_start3A_97 = tpu.memref_slice %arg10[%add3A_93, %dma_start3A_96] : memref<256x32xf32, #tpu.memory_space<vmem>> -> memref<1x32xf32, #tpu.memory_space<vmem>>
        %dma_start3A_98 = arith.constant 0 : i32
        %dma_start3A_99 = tpu.memref_slice %arg4[%squeeze3A_95, %dma_start3A_98] : memref<1000000x32xf32, #tpu.memory_space<hbm>> -> memref<1x32xf32, #tpu.memory_space<hbm>>
        %dma_start3A_100 = arith.constant 0 : i32
        %dma_start3A_101 = tpu.memref_slice %arg10[%add3A_93, %dma_start3A_100] : memref<256x32xf32, #tpu.memory_space<vmem>> -> memref<1x32xf32, #tpu.memory_space<vmem>>
        %dma_start3A_102 = arith.constant 0 : i32
        %dma_start3A_103 = tpu.memref_slice %arg4[%squeeze3A_95, %dma_start3A_102] : memref<1000000x32xf32, #tpu.memory_space<hbm>> -> memref<1x32xf32, #tpu.memory_space<hbm>>
        tpu.enqueue_dma source(%dma_start3A_103 : memref<1x32xf32, #tpu.memory_space<hbm>>) target(%dma_start3A_101 : memref<1x32xf32, #tpu.memory_space<vmem>>) target_semaphore(%arg12 : memref<!tpu.dma_semaphore, #tpu.memory_space<semaphore_mem>>)
        %slice3A_104 = vector.extract_strided_slice %get3A_44 {offsets = [2], sizes = [1], strides = [1]} : vector<16xi32> to vector<1xi32>
        %squeeze3A_105 = vector.extract %slice3A_104[0] : i32 from vector<1xi32>
        %dma_start3A_106 = arith.constant 0 : i32
        %dma_start3A_107 = tpu.memref_slice %arg11[%add3A_93, %dma_start3A_106] : memref<256x32xf32, #tpu.memory_space<vmem>> -> memref<1x32xf32, #tpu.memory_space<vmem>>
        %dma_start3A_108 = arith.constant 0 : i32
        %dma_start3A_109 = tpu.memref_slice %arg5[%squeeze3A_105, %dma_start3A_108] : memref<100000x32xf32, #tpu.memory_space<hbm>> -> memref<1x32xf32, #tpu.memory_space<hbm>>
        %dma_start3A_110 = arith.constant 0 : i32
        %dma_start3A_111 = tpu.memref_slice %arg11[%add3A_93, %dma_start3A_110] : memref<256x32xf32, #tpu.memory_space<vmem>> -> memref<1x32xf32, #tpu.memory_space<vmem>>
        %dma_start3A_112 = arith.constant 0 : i32
        %dma_start3A_113 = tpu.memref_slice %arg5[%squeeze3A_105, %dma_start3A_112] : memref<100000x32xf32, #tpu.memory_space<hbm>> -> memref<1x32xf32, #tpu.memory_space<hbm>>
        tpu.enqueue_dma source(%dma_start3A_113 : memref<1x32xf32, #tpu.memory_space<hbm>>) target(%dma_start3A_111 : memref<1x32xf32, #tpu.memory_space<vmem>>) target_semaphore(%arg13 : memref<!tpu.dma_semaphore, #tpu.memory_space<semaphore_mem>>)
        %mul3A_114 = arith.constant 16 : i32
        %mul3A_115 = arith.muli %scan3A_29, %mul3A_114 : i32
        %add3A_116 = arith.constant 3 : i32
        %add3A_117 = arith.addi %mul3A_115, %add3A_116 : i32
        %slice3A_118 = vector.extract_strided_slice %get3A_36 {offsets = [3], sizes = [1], strides = [1]} : vector<16xi32> to vector<1xi32>
        %squeeze3A_119 = vector.extract %slice3A_118[0] : i32 from vector<1xi32>
        %dma_start3A_120 = arith.constant 0 : i32
        %dma_start3A_121 = tpu.memref_slice %arg10[%add3A_117, %dma_start3A_120] : memref<256x32xf32, #tpu.memory_space<vmem>> -> memref<1x32xf32, #tpu.memory_space<vmem>>
        %dma_start3A_122 = arith.constant 0 : i32
        %dma_start3A_123 = tpu.memref_slice %arg4[%squeeze3A_119, %dma_start3A_122] : memref<1000000x32xf32, #tpu.memory_space<hbm>> -> memref<1x32xf32, #tpu.memory_space<hbm>>
        %dma_start3A_124 = arith.constant 0 : i32
        %dma_start3A_125 = tpu.memref_slice %arg10[%add3A_117, %dma_start3A_124] : memref<256x32xf32, #tpu.memory_space<vmem>> -> memref<1x32xf32, #tpu.memory_space<vmem>>
        %dma_start3A_126 = arith.constant 0 : i32
        %dma_start3A_127 = tpu.memref_slice %arg4[%squeeze3A_119, %dma_start3A_126] : memref<1000000x32xf32, #tpu.memory_space<hbm>> -> memref<1x32xf32, #tpu.memory_space<hbm>>
        tpu.enqueue_dma source(%dma_start3A_127 : memref<1x32xf32, #tpu.memory_space<hbm>>) target(%dma_start3A_125 : memref<1x32xf32, #tpu.memory_space<vmem>>) target_semaphore(%arg12 : memref<!tpu.dma_semaphore, #tpu.memory_space<semaphore_mem>>)
        %slice3A_128 = vector.extract_strided_slice %get3A_44 {offsets = [3], sizes = [1], strides = [1]} : vector<16xi32> to vector<1xi32>
        %squeeze3A_129 = vector.extract %slice3A_128[0] : i32 from vector<1xi32>
        %dma_start3A_130 = arith.constant 0 : i32
        %dma_start3A_131 = tpu.memref_slice %arg11[%add3A_117, %dma_start3A_130] : memref<256x32xf32, #tpu.memory_space<vmem>> -> memref<1x32xf32, #tpu.memory_space<vmem>>
        %dma_start3A_132 = arith.constant 0 : i32
        %dma_start3A_133 = tpu.memref_slice %arg5[%squeeze3A_129, %dma_start3A_132] : memref<100000x32xf32, #tpu.memory_space<hbm>> -> memref<1x32xf32, #tpu.memory_space<hbm>>
        %dma_start3A_134 = arith.constant 0 : i32
        %dma_start3A_135 = tpu.memref_slice %arg11[%add3A_117, %dma_start3A_134] : memref<256x32xf32, #tpu.memory_space<vmem>> -> memref<1x32xf32, #tpu.memory_space<vmem>>
        %dma_start3A_136 = arith.constant 0 : i32
        %dma_start3A_137 = tpu.memref_slice %arg5[%squeeze3A_129, %dma_start3A_136] : memref<100000x32xf32, #tpu.memory_space<hbm>> -> memref<1x32xf32, #tpu.memory_space<hbm>>
        tpu.enqueue_dma source(%dma_start3A_137 : memref<1x32xf32, #tpu.memory_space<hbm>>) target(%dma_start3A_135 : memref<1x32xf32, #tpu.memory_space<vmem>>) target_semaphore(%arg13 : memref<!tpu.dma_semaphore, #tpu.memory_space<semaphore_mem>>)
        %mul3A_138 = arith.constant 16 : i32
        %mul3A_139 = arith.muli %scan3A_29, %mul3A_138 : i32
        %add3A_140 = arith.constant 4 : i32
        %add3A_141 = arith.addi %mul3A_139, %add3A_140 : i32
        %slice3A_142 = vector.extract_strided_slice %get3A_36 {offsets = [4], sizes = [1], strides = [1]} : vector<16xi32> to vector<1xi32>
        %squeeze3A_143 = vector.extract %slice3A_142[0] : i32 from vector<1xi32>
        %dma_start3A_144 = arith.constant 0 : i32
        %dma_start3A_145 = tpu.memref_slice %arg10[%add3A_141, %dma_start3A_144] : memref<256x32xf32, #tpu.memory_space<vmem>> -> memref<1x32xf32, #tpu.memory_space<vmem>>
        %dma_start3A_146 = arith.constant 0 : i32
        %dma_start3A_147 = tpu.memref_slice %arg4[%squeeze3A_143, %dma_start3A_146] : memref<1000000x32xf32, #tpu.memory_space<hbm>> -> memref<1x32xf32, #tpu.memory_space<hbm>>
        %dma_start3A_148 = arith.constant 0 : i32
        %dma_start3A_149 = tpu.memref_slice %arg10[%add3A_141, %dma_start3A_148] : memref<256x32xf32, #tpu.memory_space<vmem>> -> memref<1x32xf32, #tpu.memory_space<vmem>>
        %dma_start3A_150 = arith.constant 0 : i32
        %dma_start3A_151 = tpu.memref_slice %arg4[%squeeze3A_143, %dma_start3A_150] : memref<1000000x32xf32, #tpu.memory_space<hbm>> -> memref<1x32xf32, #tpu.memory_space<hbm>>
        tpu.enqueue_dma source(%dma_start3A_151 : memref<1x32xf32, #tpu.memory_space<hbm>>) target(%dma_start3A_149 : memref<1x32xf32, #tpu.memory_space<vmem>>) target_semaphore(%arg12 : memref<!tpu.dma_semaphore, #tpu.memory_space<semaphore_mem>>)
        %slice3A_152 = vector.extract_strided_slice %get3A_44 {offsets = [4], sizes = [1], strides = [1]} : vector<16xi32> to vector<1xi32>
        %squeeze3A_153 = vector.extract %slice3A_152[0] : i32 from vector<1xi32>
        %dma_start3A_154 = arith.constant 0 : i32
        %dma_start3A_155 = tpu.memref_slice %arg11[%add3A_141, %dma_start3A_154] : memref<256x32xf32, #tpu.memory_space<vmem>> -> memref<1x32xf32, #tpu.memory_space<vmem>>
        %dma_start3A_156 = arith.constant 0 : i32
        %dma_start3A_157 = tpu.memref_slice %arg5[%squeeze3A_153, %dma_start3A_156] : memref<100000x32xf32, #tpu.memory_space<hbm>> -> memref<1x32xf32, #tpu.memory_space<hbm>>
        %dma_start3A_158 = arith.constant 0 : i32
        %dma_start3A_159 = tpu.memref_slice %arg11[%add3A_141, %dma_start3A_158] : memref<256x32xf32, #tpu.memory_space<vmem>> -> memref<1x32xf32, #tpu.memory_space<vmem>>
        %dma_start3A_160 = arith.constant 0 : i32
        %dma_start3A_161 = tpu.memref_slice %arg5[%squeeze3A_153, %dma_start3A_160] : memref<100000x32xf32, #tpu.memory_space<hbm>> -> memref<1x32xf32, #tpu.memory_space<hbm>>
        tpu.enqueue_dma source(%dma_start3A_161 : memref<1x32xf32, #tpu.memory_space<hbm>>) target(%dma_start3A_159 : memref<1x32xf32, #tpu.memory_space<vmem>>) target_semaphore(%arg13 : memref<!tpu.dma_semaphore, #tpu.memory_space<semaphore_mem>>)
        %mul3A_162 = arith.constant 16 : i32
        %mul3A_163 = arith.muli %scan3A_29, %mul3A_162 : i32
        %add3A_164 = arith.constant 5 : i32
        %add3A_165 = arith.addi %mul3A_163, %add3A_164 : i32
        %slice3A_166 = vector.extract_strided_slice %get3A_36 {offsets = [5], sizes = [1], strides = [1]} : vector<16xi32> to vector<1xi32>
        %squeeze3A_167 = vector.extract %slice3A_166[0] : i32 from vector<1xi32>
        %dma_start3A_168 = arith.constant 0 : i32
        %dma_start3A_169 = tpu.memref_slice %arg10[%add3A_165, %dma_start3A_168] : memref<256x32xf32, #tpu.memory_space<vmem>> -> memref<1x32xf32, #tpu.memory_space<vmem>>
        %dma_start3A_170 = arith.constant 0 : i32
        %dma_start3A_171 = tpu.memref_slice %arg4[%squeeze3A_167, %dma_start3A_170] : memref<1000000x32xf32, #tpu.memory_space<hbm>> -> memref<1x32xf32, #tpu.memory_space<hbm>>
        %dma_start3A_172 = arith.constant 0 : i32
        %dma_start3A_173 = tpu.memref_slice %arg10[%add3A_165, %dma_start3A_172] : memref<256x32xf32, #tpu.memory_space<vmem>> -> memref<1x32xf32, #tpu.memory_space<vmem>>
        %dma_start3A_174 = arith.constant 0 : i32
        %dma_start3A_175 = tpu.memref_slice %arg4[%squeeze3A_167, %dma_start3A_174] : memref<1000000x32xf32, #tpu.memory_space<hbm>> -> memref<1x32xf32, #tpu.memory_space<hbm>>
        tpu.enqueue_dma source(%dma_start3A_175 : memref<1x32xf32, #tpu.memory_space<hbm>>) target(%dma_start3A_173 : memref<1x32xf32, #tpu.memory_space<vmem>>) target_semaphore(%arg12 : memref<!tpu.dma_semaphore, #tpu.memory_space<semaphore_mem>>)
        %slice3A_176 = vector.extract_strided_slice %get3A_44 {offsets = [5], sizes = [1], strides = [1]} : vector<16xi32> to vector<1xi32>
        %squeeze3A_177 = vector.extract %slice3A_176[0] : i32 from vector<1xi32>
        %dma_start3A_178 = arith.constant 0 : i32
        %dma_start3A_179 = tpu.memref_slice %arg11[%add3A_165, %dma_start3A_178] : memref<256x32xf32, #tpu.memory_space<vmem>> -> memref<1x32xf32, #tpu.memory_space<vmem>>
        %dma_start3A_180 = arith.constant 0 : i32
        %dma_start3A_181 = tpu.memref_slice %arg5[%squeeze3A_177, %dma_start3A_180] : memref<100000x32xf32, #tpu.memory_space<hbm>> -> memref<1x32xf32, #tpu.memory_space<hbm>>
        %dma_start3A_182 = arith.constant 0 : i32
        %dma_start3A_183 = tpu.memref_slice %arg11[%add3A_165, %dma_start3A_182] : memref<256x32xf32, #tpu.memory_space<vmem>> -> memref<1x32xf32, #tpu.memory_space<vmem>>
        %dma_start3A_184 = arith.constant 0 : i32
        %dma_start3A_185 = tpu.memref_slice %arg5[%squeeze3A_177, %dma_start3A_184] : memref<100000x32xf32, #tpu.memory_space<hbm>> -> memref<1x32xf32, #tpu.memory_space<hbm>>
        tpu.enqueue_dma source(%dma_start3A_185 : memref<1x32xf32, #tpu.memory_space<hbm>>) target(%dma_start3A_183 : memref<1x32xf32, #tpu.memory_space<vmem>>) target_semaphore(%arg13 : memref<!tpu.dma_semaphore, #tpu.memory_space<semaphore_mem>>)
        %mul3A_186 = arith.constant 16 : i32
        %mul3A_187 = arith.muli %scan3A_29, %mul3A_186 : i32
        %add3A_188 = arith.constant 6 : i32
        %add3A_189 = arith.addi %mul3A_187, %add3A_188 : i32
        %slice3A_190 = vector.extract_strided_slice %get3A_36 {offsets = [6], sizes = [1], strides = [1]} : vector<16xi32> to vector<1xi32>
        %squeeze3A_191 = vector.extract %slice3A_190[0] : i32 from vector<1xi32>
        %dma_start3A_192 = arith.constant 0 : i32
        %dma_start3A_193 = tpu.memref_slice %arg10[%add3A_189, %dma_start3A_192] : memref<256x32xf32, #tpu.memory_space<vmem>> -> memref<1x32xf32, #tpu.memory_space<vmem>>
        %dma_start3A_194 = arith.constant 0 : i32
        %dma_start3A_195 = tpu.memref_slice %arg4[%squeeze3A_191, %dma_start3A_194] : memref<1000000x32xf32, #tpu.memory_space<hbm>> -> memref<1x32xf32, #tpu.memory_space<hbm>>
        %dma_start3A_196 = arith.constant 0 : i32
        %dma_start3A_197 = tpu.memref_slice %arg10[%add3A_189, %dma_start3A_196] : memref<256x32xf32, #tpu.memory_space<vmem>> -> memref<1x32xf32, #tpu.memory_space<vmem>>
        %dma_start3A_198 = arith.constant 0 : i32
        %dma_start3A_199 = tpu.memref_slice %arg4[%squeeze3A_191, %dma_start3A_198] : memref<1000000x32xf32, #tpu.memory_space<hbm>> -> memref<1x32xf32, #tpu.memory_space<hbm>>
        tpu.enqueue_dma source(%dma_start3A_199 : memref<1x32xf32, #tpu.memory_space<hbm>>) target(%dma_start3A_197 : memref<1x32xf32, #tpu.memory_space<vmem>>) target_semaphore(%arg12 : memref<!tpu.dma_semaphore, #tpu.memory_space<semaphore_mem>>)
        %slice3A_200 = vector.extract_strided_slice %get3A_44 {offsets = [6], sizes = [1], strides = [1]} : vector<16xi32> to vector<1xi32>
        %squeeze3A_201 = vector.extract %slice3A_200[0] : i32 from vector<1xi32>
        %dma_start3A_202 = arith.constant 0 : i32
        %dma_start3A_203 = tpu.memref_slice %arg11[%add3A_189, %dma_start3A_202] : memref<256x32xf32, #tpu.memory_space<vmem>> -> memref<1x32xf32, #tpu.memory_space<vmem>>
        %dma_start3A_204 = arith.constant 0 : i32
        %dma_start3A_205 = tpu.memref_slice %arg5[%squeeze3A_201, %dma_start3A_204] : memref<100000x32xf32, #tpu.memory_space<hbm>> -> memref<1x32xf32, #tpu.memory_space<hbm>>
        %dma_start3A_206 = arith.constant 0 : i32
        %dma_start3A_207 = tpu.memref_slice %arg11[%add3A_189, %dma_start3A_206] : memref<256x32xf32, #tpu.memory_space<vmem>> -> memref<1x32xf32, #tpu.memory_space<vmem>>
        %dma_start3A_208 = arith.constant 0 : i32
        %dma_start3A_209 = tpu.memref_slice %arg5[%squeeze3A_201, %dma_start3A_208] : memref<100000x32xf32, #tpu.memory_space<hbm>> -> memref<1x32xf32, #tpu.memory_space<hbm>>
        tpu.enqueue_dma source(%dma_start3A_209 : memref<1x32xf32, #tpu.memory_space<hbm>>) target(%dma_start3A_207 : memref<1x32xf32, #tpu.memory_space<vmem>>) target_semaphore(%arg13 : memref<!tpu.dma_semaphore, #tpu.memory_space<semaphore_mem>>)
        %mul3A_210 = arith.constant 16 : i32
        %mul3A_211 = arith.muli %scan3A_29, %mul3A_210 : i32
        %add3A_212 = arith.constant 7 : i32
        %add3A_213 = arith.addi %mul3A_211, %add3A_212 : i32
        %slice3A_214 = vector.extract_strided_slice %get3A_36 {offsets = [7], sizes = [1], strides = [1]} : vector<16xi32> to vector<1xi32>
        %squeeze3A_215 = vector.extract %slice3A_214[0] : i32 from vector<1xi32>
        %dma_start3A_216 = arith.constant 0 : i32
        %dma_start3A_217 = tpu.memref_slice %arg10[%add3A_213, %dma_start3A_216] : memref<256x32xf32, #tpu.memory_space<vmem>> -> memref<1x32xf32, #tpu.memory_space<vmem>>
        %dma_start3A_218 = arith.constant 0 : i32
        %dma_start3A_219 = tpu.memref_slice %arg4[%squeeze3A_215, %dma_start3A_218] : memref<1000000x32xf32, #tpu.memory_space<hbm>> -> memref<1x32xf32, #tpu.memory_space<hbm>>
        %dma_start3A_220 = arith.constant 0 : i32
        %dma_start3A_221 = tpu.memref_slice %arg10[%add3A_213, %dma_start3A_220] : memref<256x32xf32, #tpu.memory_space<vmem>> -> memref<1x32xf32, #tpu.memory_space<vmem>>
        %dma_start3A_222 = arith.constant 0 : i32
        %dma_start3A_223 = tpu.memref_slice %arg4[%squeeze3A_215, %dma_start3A_222] : memref<1000000x32xf32, #tpu.memory_space<hbm>> -> memref<1x32xf32, #tpu.memory_space<hbm>>
        tpu.enqueue_dma source(%dma_start3A_223 : memref<1x32xf32, #tpu.memory_space<hbm>>) target(%dma_start3A_221 : memref<1x32xf32, #tpu.memory_space<vmem>>) target_semaphore(%arg12 : memref<!tpu.dma_semaphore, #tpu.memory_space<semaphore_mem>>)
        %slice3A_224 = vector.extract_strided_slice %get3A_44 {offsets = [7], sizes = [1], strides = [1]} : vector<16xi32> to vector<1xi32>
        %squeeze3A_225 = vector.extract %slice3A_224[0] : i32 from vector<1xi32>
        %dma_start3A_226 = arith.constant 0 : i32
        %dma_start3A_227 = tpu.memref_slice %arg11[%add3A_213, %dma_start3A_226] : memref<256x32xf32, #tpu.memory_space<vmem>> -> memref<1x32xf32, #tpu.memory_space<vmem>>
        %dma_start3A_228 = arith.constant 0 : i32
        %dma_start3A_229 = tpu.memref_slice %arg5[%squeeze3A_225, %dma_start3A_228] : memref<100000x32xf32, #tpu.memory_space<hbm>> -> memref<1x32xf32, #tpu.memory_space<hbm>>
        %dma_start3A_230 = arith.constant 0 : i32
        %dma_start3A_231 = tpu.memref_slice %arg11[%add3A_213, %dma_start3A_230] : memref<256x32xf32, #tpu.memory_space<vmem>> -> memref<1x32xf32, #tpu.memory_space<vmem>>
        %dma_start3A_232 = arith.constant 0 : i32
        %dma_start3A_233 = tpu.memref_slice %arg5[%squeeze3A_225, %dma_start3A_232] : memref<100000x32xf32, #tpu.memory_space<hbm>> -> memref<1x32xf32, #tpu.memory_space<hbm>>
        tpu.enqueue_dma source(%dma_start3A_233 : memref<1x32xf32, #tpu.memory_space<hbm>>) target(%dma_start3A_231 : memref<1x32xf32, #tpu.memory_space<vmem>>) target_semaphore(%arg13 : memref<!tpu.dma_semaphore, #tpu.memory_space<semaphore_mem>>)
        %mul3A_234 = arith.constant 16 : i32
        %mul3A_235 = arith.muli %scan3A_29, %mul3A_234 : i32
        %add3A_236 = arith.constant 8 : i32
        %add3A_237 = arith.addi %mul3A_235, %add3A_236 : i32
        %slice3A_238 = vector.extract_strided_slice %get3A_36 {offsets = [8], sizes = [1], strides = [1]} : vector<16xi32> to vector<1xi32>
        %squeeze3A_239 = vector.extract %slice3A_238[0] : i32 from vector<1xi32>
        %dma_start3A_240 = arith.constant 0 : i32
        %dma_start3A_241 = tpu.memref_slice %arg10[%add3A_237, %dma_start3A_240] : memref<256x32xf32, #tpu.memory_space<vmem>> -> memref<1x32xf32, #tpu.memory_space<vmem>>
        %dma_start3A_242 = arith.constant 0 : i32
        %dma_start3A_243 = tpu.memref_slice %arg4[%squeeze3A_239, %dma_start3A_242] : memref<1000000x32xf32, #tpu.memory_space<hbm>> -> memref<1x32xf32, #tpu.memory_space<hbm>>
        %dma_start3A_244 = arith.constant 0 : i32
        %dma_start3A_245 = tpu.memref_slice %arg10[%add3A_237, %dma_start3A_244] : memref<256x32xf32, #tpu.memory_space<vmem>> -> memref<1x32xf32, #tpu.memory_space<vmem>>
        %dma_start3A_246 = arith.constant 0 : i32
        %dma_start3A_247 = tpu.memref_slice %arg4[%squeeze3A_239, %dma_start3A_246] : memref<1000000x32xf32, #tpu.memory_space<hbm>> -> memref<1x32xf32, #tpu.memory_space<hbm>>
        tpu.enqueue_dma source(%dma_start3A_247 : memref<1x32xf32, #tpu.memory_space<hbm>>) target(%dma_start3A_245 : memref<1x32xf32, #tpu.memory_space<vmem>>) target_semaphore(%arg12 : memref<!tpu.dma_semaphore, #tpu.memory_space<semaphore_mem>>)
        %slice3A_248 = vector.extract_strided_slice %get3A_44 {offsets = [8], sizes = [1], strides = [1]} : vector<16xi32> to vector<1xi32>
        %squeeze3A_249 = vector.extract %slice3A_248[0] : i32 from vector<1xi32>
        %dma_start3A_250 = arith.constant 0 : i32
        %dma_start3A_251 = tpu.memref_slice %arg11[%add3A_237, %dma_start3A_250] : memref<256x32xf32, #tpu.memory_space<vmem>> -> memref<1x32xf32, #tpu.memory_space<vmem>>
        %dma_start3A_252 = arith.constant 0 : i32
        %dma_start3A_253 = tpu.memref_slice %arg5[%squeeze3A_249, %dma_start3A_252] : memref<100000x32xf32, #tpu.memory_space<hbm>> -> memref<1x32xf32, #tpu.memory_space<hbm>>
        %dma_start3A_254 = arith.constant 0 : i32
        %dma_start3A_255 = tpu.memref_slice %arg11[%add3A_237, %dma_start3A_254] : memref<256x32xf32, #tpu.memory_space<vmem>> -> memref<1x32xf32, #tpu.memory_space<vmem>>
        %dma_start3A_256 = arith.constant 0 : i32
        %dma_start3A_257 = tpu.memref_slice %arg5[%squeeze3A_249, %dma_start3A_256] : memref<100000x32xf32, #tpu.memory_space<hbm>> -> memref<1x32xf32, #tpu.memory_space<hbm>>
        tpu.enqueue_dma source(%dma_start3A_257 : memref<1x32xf32, #tpu.memory_space<hbm>>) target(%dma_start3A_255 : memref<1x32xf32, #tpu.memory_space<vmem>>) target_semaphore(%arg13 : memref<!tpu.dma_semaphore, #tpu.memory_space<semaphore_mem>>)
        %mul3A_258 = arith.constant 16 : i32
        %mul3A_259 = arith.muli %scan3A_29, %mul3A_258 : i32
        %add3A_260 = arith.constant 9 : i32
        %add3A_261 = arith.addi %mul3A_259, %add3A_260 : i32
        %slice3A_262 = vector.extract_strided_slice %get3A_36 {offsets = [9], sizes = [1], strides = [1]} : vector<16xi32> to vector<1xi32>
        %squeeze3A_263 = vector.extract %slice3A_262[0] : i32 from vector<1xi32>
        %dma_start3A_264 = arith.constant 0 : i32
        %dma_start3A_265 = tpu.memref_slice %arg10[%add3A_261, %dma_start3A_264] : memref<256x32xf32, #tpu.memory_space<vmem>> -> memref<1x32xf32, #tpu.memory_space<vmem>>
        %dma_start3A_266 = arith.constant 0 : i32
        %dma_start3A_267 = tpu.memref_slice %arg4[%squeeze3A_263, %dma_start3A_266] : memref<1000000x32xf32, #tpu.memory_space<hbm>> -> memref<1x32xf32, #tpu.memory_space<hbm>>
        %dma_start3A_268 = arith.constant 0 : i32
        %dma_start3A_269 = tpu.memref_slice %arg10[%add3A_261, %dma_start3A_268] : memref<256x32xf32, #tpu.memory_space<vmem>> -> memref<1x32xf32, #tpu.memory_space<vmem>>
        %dma_start3A_270 = arith.constant 0 : i32
        %dma_start3A_271 = tpu.memref_slice %arg4[%squeeze3A_263, %dma_start3A_270] : memref<1000000x32xf32, #tpu.memory_space<hbm>> -> memref<1x32xf32, #tpu.memory_space<hbm>>
        tpu.enqueue_dma source(%dma_start3A_271 : memref<1x32xf32, #tpu.memory_space<hbm>>) target(%dma_start3A_269 : memref<1x32xf32, #tpu.memory_space<vmem>>) target_semaphore(%arg12 : memref<!tpu.dma_semaphore, #tpu.memory_space<semaphore_mem>>)
        %slice3A_272 = vector.extract_strided_slice %get3A_44 {offsets = [9], sizes = [1], strides = [1]} : vector<16xi32> to vector<1xi32>
        %squeeze3A_273 = vector.extract %slice3A_272[0] : i32 from vector<1xi32>
        %dma_start3A_274 = arith.constant 0 : i32
        %dma_start3A_275 = tpu.memref_slice %arg11[%add3A_261, %dma_start3A_274] : memref<256x32xf32, #tpu.memory_space<vmem>> -> memref<1x32xf32, #tpu.memory_space<vmem>>
        %dma_start3A_276 = arith.constant 0 : i32
        %dma_start3A_277 = tpu.memref_slice %arg5[%squeeze3A_273, %dma_start3A_276] : memref<100000x32xf32, #tpu.memory_space<hbm>> -> memref<1x32xf32, #tpu.memory_space<hbm>>
        %dma_start3A_278 = arith.constant 0 : i32
        %dma_start3A_279 = tpu.memref_slice %arg11[%add3A_261, %dma_start3A_278] : memref<256x32xf32, #tpu.memory_space<vmem>> -> memref<1x32xf32, #tpu.memory_space<vmem>>
        %dma_start3A_280 = arith.constant 0 : i32
        %dma_start3A_281 = tpu.memref_slice %arg5[%squeeze3A_273, %dma_start3A_280] : memref<100000x32xf32, #tpu.memory_space<hbm>> -> memref<1x32xf32, #tpu.memory_space<hbm>>
        tpu.enqueue_dma source(%dma_start3A_281 : memref<1x32xf32, #tpu.memory_space<hbm>>) target(%dma_start3A_279 : memref<1x32xf32, #tpu.memory_space<vmem>>) target_semaphore(%arg13 : memref<!tpu.dma_semaphore, #tpu.memory_space<semaphore_mem>>)
        %mul3A_282 = arith.constant 16 : i32
        %mul3A_283 = arith.muli %scan3A_29, %mul3A_282 : i32
        %add3A_284 = arith.constant 10 : i32
        %add3A_285 = arith.addi %mul3A_283, %add3A_284 : i32
        %slice3A_286 = vector.extract_strided_slice %get3A_36 {offsets = [10], sizes = [1], strides = [1]} : vector<16xi32> to vector<1xi32>
        %squeeze3A_287 = vector.extract %slice3A_286[0] : i32 from vector<1xi32>
        %dma_start3A_288 = arith.constant 0 : i32
        %dma_start3A_289 = tpu.memref_slice %arg10[%add3A_285, %dma_start3A_288] : memref<256x32xf32, #tpu.memory_space<vmem>> -> memref<1x32xf32, #tpu.memory_space<vmem>>
        %dma_start3A_290 = arith.constant 0 : i32
        %dma_start3A_291 = tpu.memref_slice %arg4[%squeeze3A_287, %dma_start3A_290] : memref<1000000x32xf32, #tpu.memory_space<hbm>> -> memref<1x32xf32, #tpu.memory_space<hbm>>
        %dma_start3A_292 = arith.constant 0 : i32
        %dma_start3A_293 = tpu.memref_slice %arg10[%add3A_285, %dma_start3A_292] : memref<256x32xf32, #tpu.memory_space<vmem>> -> memref<1x32xf32, #tpu.memory_space<vmem>>
        %dma_start3A_294 = arith.constant 0 : i32
        %dma_start3A_295 = tpu.memref_slice %arg4[%squeeze3A_287, %dma_start3A_294] : memref<1000000x32xf32, #tpu.memory_space<hbm>> -> memref<1x32xf32, #tpu.memory_space<hbm>>
        tpu.enqueue_dma source(%dma_start3A_295 : memref<1x32xf32, #tpu.memory_space<hbm>>) target(%dma_start3A_293 : memref<1x32xf32, #tpu.memory_space<vmem>>) target_semaphore(%arg12 : memref<!tpu.dma_semaphore, #tpu.memory_space<semaphore_mem>>)
        %slice3A_296 = vector.extract_strided_slice %get3A_44 {offsets = [10], sizes = [1], strides = [1]} : vector<16xi32> to vector<1xi32>
        %squeeze3A_297 = vector.extract %slice3A_296[0] : i32 from vector<1xi32>
        %dma_start3A_298 = arith.constant 0 : i32
        %dma_start3A_299 = tpu.memref_slice %arg11[%add3A_285, %dma_start3A_298] : memref<256x32xf32, #tpu.memory_space<vmem>> -> memref<1x32xf32, #tpu.memory_space<vmem>>
        %dma_start3A_300 = arith.constant 0 : i32
        %dma_start3A_301 = tpu.memref_slice %arg5[%squeeze3A_297, %dma_start3A_300] : memref<100000x32xf32, #tpu.memory_space<hbm>> -> memref<1x32xf32, #tpu.memory_space<hbm>>
        %dma_start3A_302 = arith.constant 0 : i32
        %dma_start3A_303 = tpu.memref_slice %arg11[%add3A_285, %dma_start3A_302] : memref<256x32xf32, #tpu.memory_space<vmem>> -> memref<1x32xf32, #tpu.memory_space<vmem>>
        %dma_start3A_304 = arith.constant 0 : i32
        %dma_start3A_305 = tpu.memref_slice %arg5[%squeeze3A_297, %dma_start3A_304] : memref<100000x32xf32, #tpu.memory_space<hbm>> -> memref<1x32xf32, #tpu.memory_space<hbm>>
        tpu.enqueue_dma source(%dma_start3A_305 : memref<1x32xf32, #tpu.memory_space<hbm>>) target(%dma_start3A_303 : memref<1x32xf32, #tpu.memory_space<vmem>>) target_semaphore(%arg13 : memref<!tpu.dma_semaphore, #tpu.memory_space<semaphore_mem>>)
        %mul3A_306 = arith.constant 16 : i32
        %mul3A_307 = arith.muli %scan3A_29, %mul3A_306 : i32
        %add3A_308 = arith.constant 11 : i32
        %add3A_309 = arith.addi %mul3A_307, %add3A_308 : i32
        %slice3A_310 = vector.extract_strided_slice %get3A_36 {offsets = [11], sizes = [1], strides = [1]} : vector<16xi32> to vector<1xi32>
        %squeeze3A_311 = vector.extract %slice3A_310[0] : i32 from vector<1xi32>
        %dma_start3A_312 = arith.constant 0 : i32
        %dma_start3A_313 = tpu.memref_slice %arg10[%add3A_309, %dma_start3A_312] : memref<256x32xf32, #tpu.memory_space<vmem>> -> memref<1x32xf32, #tpu.memory_space<vmem>>
        %dma_start3A_314 = arith.constant 0 : i32
        %dma_start3A_315 = tpu.memref_slice %arg4[%squeeze3A_311, %dma_start3A_314] : memref<1000000x32xf32, #tpu.memory_space<hbm>> -> memref<1x32xf32, #tpu.memory_space<hbm>>
        %dma_start3A_316 = arith.constant 0 : i32
        %dma_start3A_317 = tpu.memref_slice %arg10[%add3A_309, %dma_start3A_316] : memref<256x32xf32, #tpu.memory_space<vmem>> -> memref<1x32xf32, #tpu.memory_space<vmem>>
        %dma_start3A_318 = arith.constant 0 : i32
        %dma_start3A_319 = tpu.memref_slice %arg4[%squeeze3A_311, %dma_start3A_318] : memref<1000000x32xf32, #tpu.memory_space<hbm>> -> memref<1x32xf32, #tpu.memory_space<hbm>>
        tpu.enqueue_dma source(%dma_start3A_319 : memref<1x32xf32, #tpu.memory_space<hbm>>) target(%dma_start3A_317 : memref<1x32xf32, #tpu.memory_space<vmem>>) target_semaphore(%arg12 : memref<!tpu.dma_semaphore, #tpu.memory_space<semaphore_mem>>)
        %slice3A_320 = vector.extract_strided_slice %get3A_44 {offsets = [11], sizes = [1], strides = [1]} : vector<16xi32> to vector<1xi32>
        %squeeze3A_321 = vector.extract %slice3A_320[0] : i32 from vector<1xi32>
        %dma_start3A_322 = arith.constant 0 : i32
        %dma_start3A_323 = tpu.memref_slice %arg11[%add3A_309, %dma_start3A_322] : memref<256x32xf32, #tpu.memory_space<vmem>> -> memref<1x32xf32, #tpu.memory_space<vmem>>
        %dma_start3A_324 = arith.constant 0 : i32
        %dma_start3A_325 = tpu.memref_slice %arg5[%squeeze3A_321, %dma_start3A_324] : memref<100000x32xf32, #tpu.memory_space<hbm>> -> memref<1x32xf32, #tpu.memory_space<hbm>>
        %dma_start3A_326 = arith.constant 0 : i32
        %dma_start3A_327 = tpu.memref_slice %arg11[%add3A_309, %dma_start3A_326] : memref<256x32xf32, #tpu.memory_space<vmem>> -> memref<1x32xf32, #tpu.memory_space<vmem>>
        %dma_start3A_328 = arith.constant 0 : i32
        %dma_start3A_329 = tpu.memref_slice %arg5[%squeeze3A_321, %dma_start3A_328] : memref<100000x32xf32, #tpu.memory_space<hbm>> -> memref<1x32xf32, #tpu.memory_space<hbm>>
        tpu.enqueue_dma source(%dma_start3A_329 : memref<1x32xf32, #tpu.memory_space<hbm>>) target(%dma_start3A_327 : memref<1x32xf32, #tpu.memory_space<vmem>>) target_semaphore(%arg13 : memref<!tpu.dma_semaphore, #tpu.memory_space<semaphore_mem>>)
        %mul3A_330 = arith.constant 16 : i32
        %mul3A_331 = arith.muli %scan3A_29, %mul3A_330 : i32
        %add3A_332 = arith.constant 12 : i32
        %add3A_333 = arith.addi %mul3A_331, %add3A_332 : i32
        %slice3A_334 = vector.extract_strided_slice %get3A_36 {offsets = [12], sizes = [1], strides = [1]} : vector<16xi32> to vector<1xi32>
        %squeeze3A_335 = vector.extract %slice3A_334[0] : i32 from vector<1xi32>
        %dma_start3A_336 = arith.constant 0 : i32
        %dma_start3A_337 = tpu.memref_slice %arg10[%add3A_333, %dma_start3A_336] : memref<256x32xf32, #tpu.memory_space<vmem>> -> memref<1x32xf32, #tpu.memory_space<vmem>>
        %dma_start3A_338 = arith.constant 0 : i32
        %dma_start3A_339 = tpu.memref_slice %arg4[%squeeze3A_335, %dma_start3A_338] : memref<1000000x32xf32, #tpu.memory_space<hbm>> -> memref<1x32xf32, #tpu.memory_space<hbm>>
        %dma_start3A_340 = arith.constant 0 : i32
        %dma_start3A_341 = tpu.memref_slice %arg10[%add3A_333, %dma_start3A_340] : memref<256x32xf32, #tpu.memory_space<vmem>> -> memref<1x32xf32, #tpu.memory_space<vmem>>
        %dma_start3A_342 = arith.constant 0 : i32
        %dma_start3A_343 = tpu.memref_slice %arg4[%squeeze3A_335, %dma_start3A_342] : memref<1000000x32xf32, #tpu.memory_space<hbm>> -> memref<1x32xf32, #tpu.memory_space<hbm>>
        tpu.enqueue_dma source(%dma_start3A_343 : memref<1x32xf32, #tpu.memory_space<hbm>>) target(%dma_start3A_341 : memref<1x32xf32, #tpu.memory_space<vmem>>) target_semaphore(%arg12 : memref<!tpu.dma_semaphore, #tpu.memory_space<semaphore_mem>>)
        %slice3A_344 = vector.extract_strided_slice %get3A_44 {offsets = [12], sizes = [1], strides = [1]} : vector<16xi32> to vector<1xi32>
        %squeeze3A_345 = vector.extract %slice3A_344[0] : i32 from vector<1xi32>
        %dma_start3A_346 = arith.constant 0 : i32
        %dma_start3A_347 = tpu.memref_slice %arg11[%add3A_333, %dma_start3A_346] : memref<256x32xf32, #tpu.memory_space<vmem>> -> memref<1x32xf32, #tpu.memory_space<vmem>>
        %dma_start3A_348 = arith.constant 0 : i32
        %dma_start3A_349 = tpu.memref_slice %arg5[%squeeze3A_345, %dma_start3A_348] : memref<100000x32xf32, #tpu.memory_space<hbm>> -> memref<1x32xf32, #tpu.memory_space<hbm>>
        %dma_start3A_350 = arith.constant 0 : i32
        %dma_start3A_351 = tpu.memref_slice %arg11[%add3A_333, %dma_start3A_350] : memref<256x32xf32, #tpu.memory_space<vmem>> -> memref<1x32xf32, #tpu.memory_space<vmem>>
        %dma_start3A_352 = arith.constant 0 : i32
        %dma_start3A_353 = tpu.memref_slice %arg5[%squeeze3A_345, %dma_start3A_352] : memref<100000x32xf32, #tpu.memory_space<hbm>> -> memref<1x32xf32, #tpu.memory_space<hbm>>
        tpu.enqueue_dma source(%dma_start3A_353 : memref<1x32xf32, #tpu.memory_space<hbm>>) target(%dma_start3A_351 : memref<1x32xf32, #tpu.memory_space<vmem>>) target_semaphore(%arg13 : memref<!tpu.dma_semaphore, #tpu.memory_space<semaphore_mem>>)
        %mul3A_354 = arith.constant 16 : i32
        %mul3A_355 = arith.muli %scan3A_29, %mul3A_354 : i32
        %add3A_356 = arith.constant 13 : i32
        %add3A_357 = arith.addi %mul3A_355, %add3A_356 : i32
        %slice3A_358 = vector.extract_strided_slice %get3A_36 {offsets = [13], sizes = [1], strides = [1]} : vector<16xi32> to vector<1xi32>
        %squeeze3A_359 = vector.extract %slice3A_358[0] : i32 from vector<1xi32>
        %dma_start3A_360 = arith.constant 0 : i32
        %dma_start3A_361 = tpu.memref_slice %arg10[%add3A_357, %dma_start3A_360] : memref<256x32xf32, #tpu.memory_space<vmem>> -> memref<1x32xf32, #tpu.memory_space<vmem>>
        %dma_start3A_362 = arith.constant 0 : i32
        %dma_start3A_363 = tpu.memref_slice %arg4[%squeeze3A_359, %dma_start3A_362] : memref<1000000x32xf32, #tpu.memory_space<hbm>> -> memref<1x32xf32, #tpu.memory_space<hbm>>
        %dma_start3A_364 = arith.constant 0 : i32
        %dma_start3A_365 = tpu.memref_slice %arg10[%add3A_357, %dma_start3A_364] : memref<256x32xf32, #tpu.memory_space<vmem>> -> memref<1x32xf32, #tpu.memory_space<vmem>>
        %dma_start3A_366 = arith.constant 0 : i32
        %dma_start3A_367 = tpu.memref_slice %arg4[%squeeze3A_359, %dma_start3A_366] : memref<1000000x32xf32, #tpu.memory_space<hbm>> -> memref<1x32xf32, #tpu.memory_space<hbm>>
        tpu.enqueue_dma source(%dma_start3A_367 : memref<1x32xf32, #tpu.memory_space<hbm>>) target(%dma_start3A_365 : memref<1x32xf32, #tpu.memory_space<vmem>>) target_semaphore(%arg12 : memref<!tpu.dma_semaphore, #tpu.memory_space<semaphore_mem>>)
        %slice3A_368 = vector.extract_strided_slice %get3A_44 {offsets = [13], sizes = [1], strides = [1]} : vector<16xi32> to vector<1xi32>
        %squeeze3A_369 = vector.extract %slice3A_368[0] : i32 from vector<1xi32>
        %dma_start3A_370 = arith.constant 0 : i32
        %dma_start3A_371 = tpu.memref_slice %arg11[%add3A_357, %dma_start3A_370] : memref<256x32xf32, #tpu.memory_space<vmem>> -> memref<1x32xf32, #tpu.memory_space<vmem>>
        %dma_start3A_372 = arith.constant 0 : i32
        %dma_start3A_373 = tpu.memref_slice %arg5[%squeeze3A_369, %dma_start3A_372] : memref<100000x32xf32, #tpu.memory_space<hbm>> -> memref<1x32xf32, #tpu.memory_space<hbm>>
        %dma_start3A_374 = arith.constant 0 : i32
        %dma_start3A_375 = tpu.memref_slice %arg11[%add3A_357, %dma_start3A_374] : memref<256x32xf32, #tpu.memory_space<vmem>> -> memref<1x32xf32, #tpu.memory_space<vmem>>
        %dma_start3A_376 = arith.constant 0 : i32
        %dma_start3A_377 = tpu.memref_slice %arg5[%squeeze3A_369, %dma_start3A_376] : memref<100000x32xf32, #tpu.memory_space<hbm>> -> memref<1x32xf32, #tpu.memory_space<hbm>>
        tpu.enqueue_dma source(%dma_start3A_377 : memref<1x32xf32, #tpu.memory_space<hbm>>) target(%dma_start3A_375 : memref<1x32xf32, #tpu.memory_space<vmem>>) target_semaphore(%arg13 : memref<!tpu.dma_semaphore, #tpu.memory_space<semaphore_mem>>)
        %mul3A_378 = arith.constant 16 : i32
        %mul3A_379 = arith.muli %scan3A_29, %mul3A_378 : i32
        %add3A_380 = arith.constant 14 : i32
        %add3A_381 = arith.addi %mul3A_379, %add3A_380 : i32
        %slice3A_382 = vector.extract_strided_slice %get3A_36 {offsets = [14], sizes = [1], strides = [1]} : vector<16xi32> to vector<1xi32>
        %squeeze3A_383 = vector.extract %slice3A_382[0] : i32 from vector<1xi32>
        %dma_start3A_384 = arith.constant 0 : i32
        %dma_start3A_385 = tpu.memref_slice %arg10[%add3A_381, %dma_start3A_384] : memref<256x32xf32, #tpu.memory_space<vmem>> -> memref<1x32xf32, #tpu.memory_space<vmem>>
        %dma_start3A_386 = arith.constant 0 : i32
        %dma_start3A_387 = tpu.memref_slice %arg4[%squeeze3A_383, %dma_start3A_386] : memref<1000000x32xf32, #tpu.memory_space<hbm>> -> memref<1x32xf32, #tpu.memory_space<hbm>>
        %dma_start3A_388 = arith.constant 0 : i32
        %dma_start3A_389 = tpu.memref_slice %arg10[%add3A_381, %dma_start3A_388] : memref<256x32xf32, #tpu.memory_space<vmem>> -> memref<1x32xf32, #tpu.memory_space<vmem>>
        %dma_start3A_390 = arith.constant 0 : i32
        %dma_start3A_391 = tpu.memref_slice %arg4[%squeeze3A_383, %dma_start3A_390] : memref<1000000x32xf32, #tpu.memory_space<hbm>> -> memref<1x32xf32, #tpu.memory_space<hbm>>
        tpu.enqueue_dma source(%dma_start3A_391 : memref<1x32xf32, #tpu.memory_space<hbm>>) target(%dma_start3A_389 : memref<1x32xf32, #tpu.memory_space<vmem>>) target_semaphore(%arg12 : memref<!tpu.dma_semaphore, #tpu.memory_space<semaphore_mem>>)
        %slice3A_392 = vector.extract_strided_slice %get3A_44 {offsets = [14], sizes = [1], strides = [1]} : vector<16xi32> to vector<1xi32>
        %squeeze3A_393 = vector.extract %slice3A_392[0] : i32 from vector<1xi32>
        %dma_start3A_394 = arith.constant 0 : i32
        %dma_start3A_395 = tpu.memref_slice %arg11[%add3A_381, %dma_start3A_394] : memref<256x32xf32, #tpu.memory_space<vmem>> -> memref<1x32xf32, #tpu.memory_space<vmem>>
        %dma_start3A_396 = arith.constant 0 : i32
        %dma_start3A_397 = tpu.memref_slice %arg5[%squeeze3A_393, %dma_start3A_396] : memref<100000x32xf32, #tpu.memory_space<hbm>> -> memref<1x32xf32, #tpu.memory_space<hbm>>
        %dma_start3A_398 = arith.constant 0 : i32
        %dma_start3A_399 = tpu.memref_slice %arg11[%add3A_381, %dma_start3A_398] : memref<256x32xf32, #tpu.memory_space<vmem>> -> memref<1x32xf32, #tpu.memory_space<vmem>>
        %dma_start3A_400 = arith.constant 0 : i32
        %dma_start3A_401 = tpu.memref_slice %arg5[%squeeze3A_393, %dma_start3A_400] : memref<100000x32xf32, #tpu.memory_space<hbm>> -> memref<1x32xf32, #tpu.memory_space<hbm>>
        tpu.enqueue_dma source(%dma_start3A_401 : memref<1x32xf32, #tpu.memory_space<hbm>>) target(%dma_start3A_399 : memref<1x32xf32, #tpu.memory_space<vmem>>) target_semaphore(%arg13 : memref<!tpu.dma_semaphore, #tpu.memory_space<semaphore_mem>>)
        %mul3A_402 = arith.constant 16 : i32
        %mul3A_403 = arith.muli %scan3A_29, %mul3A_402 : i32
        %add3A_404 = arith.constant 15 : i32
        %add3A_405 = arith.addi %mul3A_403, %add3A_404 : i32
        %slice3A_406 = vector.extract_strided_slice %get3A_36 {offsets = [15], sizes = [1], strides = [1]} : vector<16xi32> to vector<1xi32>
        %squeeze3A_407 = vector.extract %slice3A_406[0] : i32 from vector<1xi32>
        %dma_start3A_408 = arith.constant 0 : i32
        %dma_start3A_409 = tpu.memref_slice %arg10[%add3A_405, %dma_start3A_408] : memref<256x32xf32, #tpu.memory_space<vmem>> -> memref<1x32xf32, #tpu.memory_space<vmem>>
        %dma_start3A_410 = arith.constant 0 : i32
        %dma_start3A_411 = tpu.memref_slice %arg4[%squeeze3A_407, %dma_start3A_410] : memref<1000000x32xf32, #tpu.memory_space<hbm>> -> memref<1x32xf32, #tpu.memory_space<hbm>>
        %dma_start3A_412 = arith.constant 0 : i32
        %dma_start3A_413 = tpu.memref_slice %arg10[%add3A_405, %dma_start3A_412] : memref<256x32xf32, #tpu.memory_space<vmem>> -> memref<1x32xf32, #tpu.memory_space<vmem>>
        %dma_start3A_414 = arith.constant 0 : i32
        %dma_start3A_415 = tpu.memref_slice %arg4[%squeeze3A_407, %dma_start3A_414] : memref<1000000x32xf32, #tpu.memory_space<hbm>> -> memref<1x32xf32, #tpu.memory_space<hbm>>
        tpu.enqueue_dma source(%dma_start3A_415 : memref<1x32xf32, #tpu.memory_space<hbm>>) target(%dma_start3A_413 : memref<1x32xf32, #tpu.memory_space<vmem>>) target_semaphore(%arg12 : memref<!tpu.dma_semaphore, #tpu.memory_space<semaphore_mem>>)
        %slice3A_416 = vector.extract_strided_slice %get3A_44 {offsets = [15], sizes = [1], strides = [1]} : vector<16xi32> to vector<1xi32>
        %squeeze3A_417 = vector.extract %slice3A_416[0] : i32 from vector<1xi32>
        %dma_start3A_418 = arith.constant 0 : i32
        %dma_start3A_419 = tpu.memref_slice %arg11[%add3A_405, %dma_start3A_418] : memref<256x32xf32, #tpu.memory_space<vmem>> -> memref<1x32xf32, #tpu.memory_space<vmem>>
        %dma_start3A_420 = arith.constant 0 : i32
        %dma_start3A_421 = tpu.memref_slice %arg5[%squeeze3A_417, %dma_start3A_420] : memref<100000x32xf32, #tpu.memory_space<hbm>> -> memref<1x32xf32, #tpu.memory_space<hbm>>
        %dma_start3A_422 = arith.constant 0 : i32
        %dma_start3A_423 = tpu.memref_slice %arg11[%add3A_405, %dma_start3A_422] : memref<256x32xf32, #tpu.memory_space<vmem>> -> memref<1x32xf32, #tpu.memory_space<vmem>>
        %dma_start3A_424 = arith.constant 0 : i32
        %dma_start3A_425 = tpu.memref_slice %arg5[%squeeze3A_417, %dma_start3A_424] : memref<100000x32xf32, #tpu.memory_space<hbm>> -> memref<1x32xf32, #tpu.memory_space<hbm>>
        tpu.enqueue_dma source(%dma_start3A_425 : memref<1x32xf32, #tpu.memory_space<hbm>>) target(%dma_start3A_423 : memref<1x32xf32, #tpu.memory_space<vmem>>) target_semaphore(%arg13 : memref<!tpu.dma_semaphore, #tpu.memory_space<semaphore_mem>>)
      }
      %scan3A_14 = arith.constant 16 : i32
      %dma_wait3A = arith.constant 0 : i32
      %dma_wait3A_15 = arith.constant 0 : i32
      %dma_wait3A_16 = tpu.memref_slice %arg6[%dma_wait3A, %dma_wait3A_15] : memref<16384x32xf32, #tpu.memory_space<hbm>> -> memref<256x32xf32, #tpu.memory_space<hbm>>
      %dma_wait3A_17 = arith.constant 0 : i32
      %dma_wait3A_18 = arith.constant 0 : i32
      %dma_wait3A_19 = tpu.memref_slice %arg6[%dma_wait3A_17, %dma_wait3A_18] : memref<16384x32xf32, #tpu.memory_space<hbm>> -> memref<256x32xf32, #tpu.memory_space<hbm>>
      tpu.wait_dma2 semaphore(%arg12 : memref<!tpu.dma_semaphore, #tpu.memory_space<semaphore_mem>>) src(%dma_wait3A_19 : memref<256x32xf32, #tpu.memory_space<hbm>>) dst(%arg10 : memref<256x32xf32, #tpu.memory_space<vmem>>)
      %dma_wait3A_20 = arith.constant 0 : i32
      %dma_wait3A_21 = arith.constant 0 : i32
      %dma_wait3A_22 = tpu.memref_slice %arg7[%dma_wait3A_20, %dma_wait3A_21] : memref<16384x32xf32, #tpu.memory_space<hbm>> -> memref<256x32xf32, #tpu.memory_space<hbm>>
      %dma_wait3A_23 = arith.constant 0 : i32
      %dma_wait3A_24 = arith.constant 0 : i32
      %dma_wait3A_25 = tpu.memref_slice %arg7[%dma_wait3A_23, %dma_wait3A_24] : memref<16384x32xf32, #tpu.memory_space<hbm>> -> memref<256x32xf32, #tpu.memory_space<hbm>>
      tpu.wait_dma2 semaphore(%arg13 : memref<!tpu.dma_semaphore, #tpu.memory_space<semaphore_mem>>) src(%dma_wait3A_25 : memref<256x32xf32, #tpu.memory_space<hbm>>) dst(%arg11 : memref<256x32xf32, #tpu.memory_space<vmem>>)
      %mul3A_26 = arith.constant 256 : i32
      %mul3A_27 = arith.muli %scan3A_8, %mul3A_26 : i32
      %add3A_28 = arith.addi %mul3A_2, %mul3A_27 : i32
      "tpu.region"() ({
        %run_scoped3A = tpu.sem_alloc : memref<!tpu.dma_semaphore, #tpu.memory_space<semaphore_mem>>
        %dma_start3A = arith.constant 0 : i32
        %dma_start3A_29 = tpu.memref_slice %arg6[%add3A_28, %dma_start3A] : memref<16384x32xf32, #tpu.memory_space<hbm>> -> memref<256x32xf32, #tpu.memory_space<hbm>>
        %dma_start3A_30 = arith.constant 0 : i32
        %dma_start3A_31 = tpu.memref_slice %arg6[%add3A_28, %dma_start3A_30] : memref<16384x32xf32, #tpu.memory_space<hbm>> -> memref<256x32xf32, #tpu.memory_space<hbm>>
        tpu.enqueue_dma source(%arg10 : memref<256x32xf32, #tpu.memory_space<vmem>>) target(%dma_start3A_31 : memref<256x32xf32, #tpu.memory_space<hbm>>) target_semaphore(%run_scoped3A : memref<!tpu.dma_semaphore, #tpu.memory_space<semaphore_mem>>)
        %dma_wait3A_32 = arith.constant 0 : i32
        %dma_wait3A_33 = tpu.memref_slice %arg6[%add3A_28, %dma_wait3A_32] : memref<16384x32xf32, #tpu.memory_space<hbm>> -> memref<256x32xf32, #tpu.memory_space<hbm>>
        %dma_wait3A_34 = arith.constant 0 : i32
        %dma_wait3A_35 = tpu.memref_slice %arg6[%add3A_28, %dma_wait3A_34] : memref<16384x32xf32, #tpu.memory_space<hbm>> -> memref<256x32xf32, #tpu.memory_space<hbm>>
        tpu.wait_dma2 semaphore(%run_scoped3A : memref<!tpu.dma_semaphore, #tpu.memory_space<semaphore_mem>>) src(%arg10 : memref<256x32xf32, #tpu.memory_space<vmem>>) dst(%dma_wait3A_35 : memref<256x32xf32, #tpu.memory_space<hbm>>)
        tpu.yield
      }) : () -> ()
      "tpu.region"() ({
        %run_scoped3A = tpu.sem_alloc : memref<!tpu.dma_semaphore, #tpu.memory_space<semaphore_mem>>
        %dma_start3A = arith.constant 0 : i32
        %dma_start3A_29 = tpu.memref_slice %arg7[%add3A_28, %dma_start3A] : memref<16384x32xf32, #tpu.memory_space<hbm>> -> memref<256x32xf32, #tpu.memory_space<hbm>>
        %dma_start3A_30 = arith.constant 0 : i32
        %dma_start3A_31 = tpu.memref_slice %arg7[%add3A_28, %dma_start3A_30] : memref<16384x32xf32, #tpu.memory_space<hbm>> -> memref<256x32xf32, #tpu.memory_space<hbm>>
        tpu.enqueue_dma source(%arg11 : memref<256x32xf32, #tpu.memory_space<vmem>>) target(%dma_start3A_31 : memref<256x32xf32, #tpu.memory_space<hbm>>) target_semaphore(%run_scoped3A : memref<!tpu.dma_semaphore, #tpu.memory_space<semaphore_mem>>)
        %dma_wait3A_32 = arith.constant 0 : i32
        %dma_wait3A_33 = tpu.memref_slice %arg7[%add3A_28, %dma_wait3A_32] : memref<16384x32xf32, #tpu.memory_space<hbm>> -> memref<256x32xf32, #tpu.memory_space<hbm>>
        %dma_wait3A_34 = arith.constant 0 : i32
        %dma_wait3A_35 = tpu.memref_slice %arg7[%add3A_28, %dma_wait3A_34] : memref<16384x32xf32, #tpu.memory_space<hbm>> -> memref<256x32xf32, #tpu.memory_space<hbm>>
        tpu.wait_dma2 semaphore(%run_scoped3A : memref<!tpu.dma_semaphore, #tpu.memory_space<semaphore_mem>>) src(%arg11 : memref<256x32xf32, #tpu.memory_space<vmem>>) dst(%dma_wait3A_35 : memref<256x32xf32, #tpu.memory_space<hbm>>)
        tpu.yield
      }) : () -> ()
    }
    %scan3A_7 = arith.constant 2 : i32
    return
  }
}

module attributes {stable_mosaic.version = 14 : i64} {
  func.func @_tc_body(%arg0: i32, %arg1: memref<2048x32xf32, #tpu.memory_space<vmem>>, %arg2: memref<2048x32xf32, #tpu.memory_space<vmem>>, %arg3: memref<32x1xf32, #tpu.memory_space<vmem>>, %arg4: memref<1xf32, #tpu.memory_space<smem>>, %arg5: memref<2048x1xf32, #tpu.memory_space<vmem>>) attributes {dimension_semantics = [#tpu.dimension_semantics<arbitrary>], iteration_bounds = array<i64: 8>, scalar_prefetch = 0 : i64, scratch_operands = 0 : i64, tpu.core_type = #tpu.core_type<tc>, window_params = [{transform_indices = @transform_0, window_bounds = array<i64: 2048, 32>}, {transform_indices = @transform_1, window_bounds = array<i64: 2048, 32>}, {pipeline_mode = #tpu.pipeline_mode<synchronous>, transform_indices = @transform_2, window_bounds = array<i64: 32, 1>}, {transform_indices = @transform_3, window_bounds = array<i64: 1>}, {transform_indices = @transform_4, window_bounds = array<i64: 2048, 1>}]} {
    %get3A = arith.constant 0 : index
    %get3A_0 = arith.constant 0 : index
    %get3A_1 = vector.load %arg1[%get3A, %get3A_0] : memref<2048x32xf32, #tpu.memory_space<vmem>>, vector<2048x32xf32>
    %get3A_2 = arith.constant 0 : index
    %get3A_3 = arith.constant 0 : index
    %get3A_4 = vector.load %arg2[%get3A_2, %get3A_3] : memref<2048x32xf32, #tpu.memory_space<vmem>>, vector<2048x32xf32>
    %mul3A = arith.mulf %get3A_1, %get3A_4 : vector<2048x32xf32>
    %get3A_5 = arith.constant 0 : index
    %get3A_6 = arith.constant 0 : index
    %get3A_7 = vector.load %arg3[%get3A_5, %get3A_6] : memref<32x1xf32, #tpu.memory_space<vmem>>, vector<32x1xf32>
    %dot_general3A = arith.constant dense<0.000000e+00> : vector<2048x1xf32>
    %dot_general3A_8 = tpu.matmul %mul3A, %get3A_7, %dot_general3A {dimension_numbers = #tpu.dot_dimension_numbers<[1], [0], [0], [1], [0, 0, 1, 1], [], []>, transpose_lhs_hint = false} : vector<2048x32xf32>, vector<32x1xf32>, vector<2048x1xf32> -> vector<2048x1xf32>
    %get3A_9 = arith.constant 0 : index
    %get3A_10 = memref.load %arg4[%get3A_9] : memref<1xf32, #tpu.memory_space<smem>>
    %add3A = vector.broadcast %get3A_10 : f32 to vector<2048x1xf32>
    %add3A_11 = arith.addf %dot_general3A_8, %add3A : vector<2048x1xf32>
    %logistic3A = arith.negf %add3A_11 : vector<2048x1xf32>
    %logistic3A_12 = math.exp %logistic3A : vector<2048x1xf32>
    %logistic3A_13 = arith.constant 1.000000e+00 : f32
    %logistic3A_14 = vector.broadcast %logistic3A_13 : f32 to vector<2048x1xf32>
    %logistic3A_15 = arith.addf %logistic3A_14, %logistic3A_12 : vector<2048x1xf32>
    %logistic3A_16 = arith.divf %logistic3A_14, %logistic3A_15 : vector<2048x1xf32>
    %swap3A = arith.constant 0 : index
    %swap3A_17 = arith.constant 0 : index
    %swap3A_18 = vector.load %arg5[%swap3A, %swap3A_17] : memref<2048x1xf32, #tpu.memory_space<vmem>>, vector<2048x1xf32>
    tpu.vector_store %arg5[%swap3A, %swap3A_17], %logistic3A_16 {strides = array<i32>} : memref<2048x1xf32, #tpu.memory_space<vmem>>, vector<2048x1xf32>,
    return
  }
  func.func @transform_0(%arg0: i32) -> (i32, i32) {
    %c0_i32 = arith.constant 0 : i32
    %c0_i32_0 = arith.constant 0 : i32
    return %arg0, %c0_i32 : i32, i32
  }
  func.func @transform_1(%arg0: i32) -> (i32, i32) {
    %c0_i32 = arith.constant 0 : i32
    %c0_i32_0 = arith.constant 0 : i32
    return %arg0, %c0_i32 : i32, i32
  }
  func.func @transform_2(%arg0: i32) -> (i32, i32) {
    %c0_i32 = arith.constant 0 : i32
    %c0_i32_0 = arith.constant 0 : i32
    %c0_i32_1 = arith.constant 0 : i32
    return %c0_i32, %c0_i32_0 : i32, i32
  }
  func.func @transform_3(%arg0: i32) -> i32 {
    %c0_i32 = arith.constant 0 : i32
    %c0_i32_0 = arith.constant 0 : i32
    return %c0_i32 : i32
  }
  func.func @transform_4(%arg0: i32) -> (i32, i32) {
    %c0_i32 = arith.constant 0 : i32
    %c0_i32_0 = arith.constant 0 : i32
    return %arg0, %c0_i32 : i32, i32
  }
}

</mosaic_0001>

<sc_bundles>
// kernel: kernel.4.cloned.1.call-start
scs
__scs_entry_jumppad:
0x0: {  	(pc) =	sbr.rel $0x88, $3  }
0x1: {  	(tag) =	ssettag $0x0;
	lr =	simm.s32 $0x1  }
0x2: {  	[smem:$0x3F9B] =	sst lr;
	_ =	strace $0xD0000000  }
0x3: {  	_ = 	snop  }
0x4: {  	_ = 	snop  }
0x5: {  	_ = 	snop  }
0x6: {  	_ = 	snop  }
0x7: {  	_ = 	snop  }
__scs_overlays_trampoline_lowered:
0x8: {  	[smem:$0x3FAA] =	sst s0  }
0x9: {  	[smem:$0x3FAB] =	sst s1  }
0xa: {  	[smem:$0x3FAC] =	sst s2  }
0xb: {  	[smem:$0x3FAD] =	sst s3  }
0xc: {  	[smem:$0x3FAE] =	sst s4  }
0xd: {  	[smem:$0x3FAF] =	sst s5  }
0xe: {  	[smem:$0x3FB0] =	sst s6  }
0xf: {  	[smem:$0x3FB1] =	sst s7  }
0x10: {  	[smem:$0x3FB2] =	sst s8  }
0x11: {  	[smem:$0x3FB3] =	sst s9;
	s0 =	simm.s32 @!p0 $0x0  }
0x12: {  	s1 =	sld [smem:$0x3F99];
	s0 =	simm.s32 @p0 $0x1  }
0x13: {  	[smem:$0x3FB4] =	sst s0;
	s0 =	simm.s32 @!p1 $0x0  }
0x14: {  	s2 =	sld [smem:$0x3F98];
	s0 =	simm.s32 @p1 $0x1  }
0x15: {  	[smem:$0x3FB5] =	sst s0;
	s0 =	simm.s32 @!p2 $0x0  }
0x16: {  	s3 =	sld [smem:$0x3FDB];
	s0 =	simm.s32 @p2 $0x1  }
0x17: {  	s4 =	simm.s32 $0x1BF5;
	[smem:$0x3FB7] =	sst s0  }
0x18: {  	s0 =	sld [smem:$0x3F9A];
	_ =	swait.ge [sflag:s4], $0x0  }
0x19: {  	s7 =	sld [smem:$0x3F9B]  }
0x1a: {  	s8 =	sadd.s32 $0xFFFFE003, lr  }
0x1b: {  	s9 =	sadd.s32 $0xFFFFFEF7, lr;
	s5 =	simm.s32 $0xFFFFFFFF;
	p2 =	slt.u32 s8, $0xFFFFF086  }
0x1c: {  	p1 =	slt.u32 s9, $0xF7A;
	s5 =	simm.s32 @!p2 $0x0  }
0x1d: {  	s5 =	simm.s32 @p1 $0x1;
	p0 =	seq.s32 s7, s2  }
0x1e: {  	s7 =	smul.u32 @!p0 $0xF7A, s2;
	p2 =	seq.s32 @!p0 s5, $0x0  }
0x1f: {  	s9 =	smul.u32 $0xF7A, s1;
	s8 =	simm.s32 @!p0 $0x1BF5;
	p2 =	por !p2, p0  }
0x20: {  	[sflag:s8] =	ssyncset.s32 @!p0 $0xFFFFF086;
	s6 =	sadd.s32 @!p0 s3, s7;
	s7 =	simm.s32 @!p0 $0x108  }
0x21: {  	s3 =	sadd.s32 s3, s9;
	s6 =	sadd.s32 @!p0 $0x88, s6;
	s7 =	simm.s32 @p2 $0x1082  }
0x22: {  	[simem:s7], [sflag:s8] =	dma.local @!p0 [hbm:s6], $0xF7A  }
0x23: {  	s9 =	sor.u32 $0xD0000000, s2;
	s6 =	simm.s32 $0x108;
	_ =	swait.ge @!p0 [sflag:s8], $0x0  }
0x24: {  	s3 =	sadd.s32 $0x88, s3;
	s6 =	simm.s32 @!p1 $0x1082;
	[sflag:s4] =	ssyncset.s32 $0xFFFFF086  }
0x25: {  	[simem:s6], [sflag:s4] =	dma.local [hbm:s3], $0xF7A  }
0x26: {  	[smem:$0x3F9B] =	sst s1;
	(tag) =	ssettag s2;
	_ =	strace s9  }
0x27: {  	s1 =	sld [smem:$0x3FAB]  }
0x28: {  	s2 =	sld [smem:$0x3FAC]  }
0x29: {  	s4 =	sld [smem:$0x3FAE]  }
0x2a: {  	p0 =	seq.s32 s5, $0x0;
	s5 =	sld [smem:$0x3FAF]  }
0x2b: {  	s6 =	sld [smem:$0x3FB0]  }
0x2c: {  	s7 =	sld [smem:$0x3FB1]  }
0x2d: {  	s3 =	simm.s32 $0x108;
	s8 =	sld [smem:$0x3FB2]  }
0x2e: {  	s3 =	simm.s32 @!p0 $0x1082;
	s9 =	sld [smem:$0x3FB3]  }
0x2f: {  	lr =	sadd.s32 s0, s3;
	s0 =	sld [smem:$0x3FAA]  }
0x30: {  	s3 =	sld [smem:$0x3FAD]  }
0x31: {  	[smem:$0x3FB6] =	sst s10  }
0x32: {  	s10 =	sld [smem:$0x3FB4];
	_ =	sdelay $0x3  }
0x33: {  	p0 =	seq.s32 s10, $0x1;
	s10 =	sld [smem:$0x3FB6];
	_ =	sdelay $0x3  }
0x34: {  	[smem:$0x3FB6] =	sst s10  }
0x35: {  	s10 =	sld [smem:$0x3FB5];
	_ =	sdelay $0x3  }
0x36: {  	p1 =	seq.s32 s10, $0x1;
	s10 =	sld [smem:$0x3FB6];
	_ =	sdelay $0x3  }
0x37: {  	[smem:$0x3FB6] =	sst s10  }
0x38: {  	s10 =	sld [smem:$0x3FB7]  }
0x39: {  	_ = 	snop;
	(pc) =	sbr.ind lr, $3  }
0x3a: {  	_ = 	snop  }
0x3b: {  	_ = 	snop  }
0x3c: {  	p2 =	seq.s32 s10, $0x1;
	s10 =	sld [smem:$0x3FB6]  }
0x3d: {  	_ =	shalt  }
0x3e: {  	_ =	shalt  }
0x3f: {  	_ =	shalt  }
0x40: {  	_ =	shalt  }
0x41: {  	_ =	shalt  }
0x42: {  	_ =	shalt  }
0x43: {  	_ =	shalt  }
0x44: {  	_ =	shalt  }
0x45: {  	_ =	shalt  }
0x46: {  	_ =	shalt  }
0x47: {  	_ =	shalt  }
0x48: {  	_ =	shalt  }
0x49: {  	_ =	shalt  }
0x4a: {  	_ =	shalt  }
0x4b: {  	_ =	shalt  }
0x4c: {  	_ =	shalt  }
0x4d: {  	_ =	shalt  }
0x4e: {  	_ =	shalt  }
0x4f: {  	_ =	shalt  }
0x50: {  	_ =	shalt  }
0x51: {  	_ =	shalt  }
0x52: {  	_ =	shalt  }
0x53: {  	_ =	shalt  }
0x54: {  	_ =	shalt  }
0x55: {  	_ =	shalt  }
0x56: {  	_ =	shalt  }
0x57: {  	_ =	shalt  }
0x58: {  	_ =	shalt  }
0x59: {  	_ =	shalt  }
0x5a: {  	_ =	shalt  }
0x5b: {  	_ =	shalt  }
0x5c: {  	_ =	shalt  }
0x5d: {  	_ =	shalt  }
0x5e: {  	_ =	shalt  }
0x5f: {  	_ =	shalt  }
0x60: {  	_ =	shalt  }
0x61: {  	_ =	shalt  }
0x62: {  	_ =	shalt  }
0x63: {  	_ =	shalt  }
0x64: {  	_ =	shalt  }
0x65: {  	_ =	shalt  }
0x66: {  	_ =	shalt  }
0x67: {  	_ =	shalt  }
0x68: {  	_ =	shalt  }
0x69: {  	_ =	shalt  }
0x6a: {  	_ =	shalt  }
0x6b: {  	_ =	shalt  }
0x6c: {  	_ =	shalt  }
0x6d: {  	_ =	shalt  }
0x6e: {  	_ =	shalt  }
0x6f: {  	_ =	shalt  }
0x70: {  	_ =	shalt  }
0x71: {  	_ =	shalt  }
0x72: {  	_ =	shalt  }
0x73: {  	_ =	shalt  }
0x74: {  	_ =	shalt  }
0x75: {  	_ =	shalt  }
0x76: {  	_ =	shalt  }
0x77: {  	_ =	shalt  }
0x78: {  	_ =	shalt  }
0x79: {  	_ =	shalt  }
0x7a: {  	_ =	shalt  }
0x7b: {  	_ =	shalt  }
0x7c: {  	_ =	shalt  }
0x7d: {  	_ =	shalt  }
0x7e: {  	_ =	shalt  }
0x7f: {  	_ =	shalt  }
0x80: {  	_ =	shalt  }
0x81: {  	_ =	shalt  }
0x82: {  	_ =	shalt  }
0x83: {  	_ =	shalt  }
0x84: {  	_ =	shalt  }
0x85: {  	_ =	shalt  }
0x86: {  	_ =	shalt  }
0x87: {  	_ =	shalt  }
.Lfunc_end0:
.L_simem_size_0:
called_computation_lowered:
.L_overlay_start_0:
0x88: {  	s2 =	sld [smem:$0x3FD9]  }
0x89: {  	s3 =	sld [smem:$0x3FFE];
	_ =	sdelay $0x1  }
0x8a: {  	s1 =	srdreg.scid  }
0x8b: {  	s0 =	sand.u32 $0x1, s1  }
0x8c: {  	s17 =	sshll.u32 s0, $0xA;
	s2 =	sadd.s32 s3, s2  }
0x8d: {  	s2 =	sadd.s32 s2, s17  }
0x8e: {  	[smem:$0x3FC2] =	sst s2  }
0x8f: {  	_ = 	snop  }
0x90: {  	s2 =	sld [smem:$0x3FC9]  }
0x91: {  	s18 =	sld [smem:$0x3FC8];
	(tm) =	ssettm $0x1  }
0x92: {  	s4 =	sld [smem:$0x3FFB];
	_ =	sdelay $0x3  }
0x93: {  	_ =	strace s4  }
0x94: {  	s4 =	sld [smem:$0x3FFC];
	_ =	sdelay $0x3  }
0x95: {  	_ =	strace s4  }
0x96: {  	s4 =	sld [smem:$0x3FFD];
	_ =	sdelay $0x3  }
0x97: {  	_ =	strace s4  }
0x98: {  	_ =	strace $0x8FFFFFFF  }
0x99: {  	s19 =	sld [smem:$0x3FDB];
	_ =	sdelay $0x1  }
0x9a: {  	s5 =	simm.s32 $_scs_section_size  }
0x9b: {  	s6 =	simm.s32 $_size__tile_overlayer_lowered;
	s7 =	simm.s32 $_tile_overlayer_lowered  }
0x9c: {  	s22 =	simm.s32 $0x1BFF;
	s21 =	sshll.u32 s7, $0x1;
	s4 =	sadd.s32 s5, s19  }
0x9d: {  	s8 =	simm.s32 $0x0;
	s20 =	sshll.u32 s6, $0x1;
	s6 =	sadd.s32 s21, s4  }
0x9e: {  	[timem:s8], [sflag:s22] =	dma.local [hbm:s6], s20  }
0x9f: {  	_ =	swait.ge [sflag:s22], s20  }
0xa0: {  	s5 =	ssub.s32 $0x0, s20;
	[sflag:s22] =	ssyncset.done $0x0  }
0xa1: {  	[sflag:s22] =	ssyncadd.s32 s5;
	_ =	sdelay $0x1  }
0xa2: {  	s23 =	simm.s32 $0x1B8B  }
0xa3: {  	_ =	swait.ge [sflag:s23], $0x1  }
0xa4: {  	[sflag:s23] =	ssyncset.done $0x0  }
0xa5: {  	s25 =	simm.s32 $0x1B8E;
	s24 =	sld [smem:$0x3FFE];
	[sflag:s23] =	ssyncadd.s32 $0xFFFFFFFF  }
0xa6: {  	s26 =	simm.s32 $execute0_lowered;
	[smem:$0x3FD2] =	sst s25  }
0xa7: {  	s6 =	sshll.u32 s26, $0x1;
	_ =	strace $0x80000046;
	[dreg:$0x1] =	wrdreg $0xFFFFFFFF  }
0xa8: {  	s28 =	simm.s32 $_size_execute0_lowered;
	s4 =	sadd.s32 s4, s6;
	[dreg:$0x0] =	wrdreg $0x0  }
0xa9: {  	s6 =	sshll.u32 s28, $0x1;
	[dreg:$0x2] =	wrdreg s4  }
0xaa: {  	[dreg:$0x3] =	wrdreg s6  }
0xab: {  	[dreg:$0x4] =	wrdreg $0xC0  }
0xac: {  	_ =	task [dreg:s8], $0x5FFFF  }
0xad: {  	[dreg:$0x1] =	wrdreg $0xFFFFFFFF  }
0xae: {  	[dreg:$0x0] =	wrdreg $0x60  }
0xaf: {  	[dreg:$0x2] =	wrdreg s2  }
0xb0: {  	[dreg:$0x3] =	wrdreg s18  }
0xb1: {  	[dreg:$0x4] =	wrdreg s24  }
0xb2: {  	[dreg:$0x5] =	wrdreg $0x9  }
0xb3: {  	_ =	task.clear_ibuf [dreg:s8], $0x6FFFF;
	_ =	strace $0x90000046  }
0xb4: {  	s29 =	simm.s32 $0x9;
	_ =	strace $0x80000048  }
0xb5: {  	_ =	swait.ge [sflag:s29], $0x1  }
0xb6: {  	[sflag:s29] =	ssyncadd.s32 $0xFFFFFFFF  }
0xb7: {  	_ =	strace $0x90000048  }
0xb8: {  	_ =	sfence  }
0xb9: {  	s30 =	sld [smem:$0x0];
	_ =	sdelay $0x2  }
0xba: {  	s31 =	sshll.u32 s1, $0xD;
	s1 =	sshrl.u32 s1, $0x2  }
0xbb: {  	s3 =	sand.u32 $0x4000, s31;
	s1 =	sadd.s32 s1, s30  }
0xbc: {  	s0 =	sor.u32 s3, s0;
	s1 =	sshll.u32 s1, $0x11  }
0xbd: {  	s0 =	sor.u32 s1, s0  }
0xbe: {  	s0 =	sadd.s32 $0x8F2B, s0  }
0xbf: {  	[sflag:s0] =	ssyncadd.remote.s32 $0x1  }
0xc0: {  	_ =	sfence.sel $0xFFFF  }
0xc1: {  	[dreg:$0x0] =	wrdreg $0xFFFFFFFF;
	(pc) =	sbr.abs _section_cstart, $3  }
0xc2: {  	[dreg:$0x1] =	wrdreg $0xFFFFFFFF  }
0xc3: {  	_ =	task.clear_ibuf [dreg:s8], $0x2FFFF;
	_ =	strace $0x9FFFFFFF  }
0xc4: {  	(tm) =	ssettm $0x7FFFFFFF  }
0xc5: {  	_ =	shalt  }
tec
execute0_lowered:
.L_overlay_start_1:
0x0: {  	(tag) =	ssettag $0x1  }
0x1: {  	s5 =	rddreg [dreg:$0x2];
	s2 =	simm.s32 $0x0;
	s3 =	srdreg.scid  }
0x2: {  	s4 =	stileid.u32;
	[smem:$0x7FF] =	sst s2;
	s6 =	sand.u32 $0x1, s3  }
0x3: {  	s3 =	sadd.s32 $0xA00, s5;
	s7 =	sshll.u32 s4, $0xA;
	s4 =	sadd.s32 $0xF42E00, s5  }
0x4: {  	s0 =	rddreg [dreg:$0x0];
	s25 =	sadd.s32 $0x10C9800, s5;
	s5 =	sadd.s32 $0x1109800, s5  }
0x5: {  	s1 =	rddreg [dreg:$0x1];
	_ =	strace $0x80000047;
	s8 =	sshll.u32 s6, $0x9  }
0x6: {  	s6 =	ssub.s32 $0x2, s6;
	[dreg:$0xd] =	wrdreg s25;
	s7 =	sor.u32 s8, s7  }
0x7: {  	[dreg:$0xe] =	wrdreg s5;
	s9 =	sshrl.u32 s7, $0x3;
	s30 =	sshll.u32 s7, $0x4  }
0x8: {  	s26 =	sshrl.u32 s6, $0x1;
	s0 =	sadd.s32 s0, s9;
	[dreg:$0x11] =	wrdreg s30  }
0x9: {  	s28 =	ssub.s32 s6, s26;
	s29 =	sadd.s32 s1, s9;
	[dreg:$0xf] =	wrdreg s0  }
0xa: {  	s31 =	smax.u32 s28, $0x1;
	[dreg:$0x10] =	wrdreg s29  }
0xb: {  	s1 =	simm.s32 $0x0;
	[dreg:$0x12] =	wrdreg s31  }
.LBB2_1:
0xc: {  	[dreg:$0x13] =	wrdreg s1  }
0xd: {  	s0 =	rddreg [dreg:$0xf];
	s30 =	simm.s32 $0x3  }
0xe: {  	[tilespmem:s2], [sflag:$0x3] =	stream.linear.gather [hbm4b:s0+s2], $0x200, $0x38;
	[tilespmem:$0x10400] =	vst v63  }
0xf: {  	_ =	swait.ge [sflag:s30], $0x200  }
0x10: {  	[sflag:s30] =	ssyncset.done $0x0  }
0x11: {  	s5 =	simm.s32 $0x200;
	s31 =	rddreg [dreg:$0x10];
	[sflag:s30] =	ssyncadd.s32 $0xFFFFFE00  }
0x12: {  	[tilespmem:s5], [sflag:$0x3] =	stream.linear.gather [hbm4b:s31+s2], $0x200, $0x38;
	[tilespmem:$0x10400] =	vst v63  }
0x13: {  	_ =	swait.ge [sflag:s30], $0x200  }
0x14: {  	[sflag:s30] =	ssyncset.done $0x0  }
0x15: {  	p1 =	por $0x1, $0x1;
	s0 =	simm.s32 $0x0;
	[sflag:s30] =	ssyncadd.s32 $0xFFFFFE00  }
.LBB2_2:
0x16: {  	s15 =	sshll.u32 s0, $0x8  }
0x17: {  	s1 =	sand.u32 $0x3FFFFF00, s15  }
0x18: {  	[dreg:$0x14] =	wrdreg s0;
	s0 =	sadd.s32 $0x200, s1;
	v0 =	vld [tilespmem:s1+$0x0]  }
0x19: {  	v2 =	vld [tilespmem:s0+$0x0];
	_ =	sdelay $0x3  }
0x1a: {  	v1 =	vshll.u32 v0, $0x4  }
0x1b: {  	v63 =	vshll.u32 v2, $0x4;
	(v2sf) =	vpush v1, $0x0  }
0x1c: {  	(v2sf) =	vpush v63, $0x0  }
0x1d: {  	(v2sf) =	vpush v1, $0x1;
	_ =	sdelay $0x1  }
0x1e: {  	(v2sf) =	vpush v63, $0x1  }
0x1f: {  	(v2sf) =	vpush v1, $0x2;
	_ =	sdelay $0x1  }
0x20: {  	(v2sf) =	vpush v63, $0x2;
	_ =	sdelay $0x1  }
0x21: {  	(v2sf) =	vpush v1, $0x3;
	_ =	sdelay $0x1  }
0x22: {  	s19 =	simm.s32 $0x2000;
	s18 =	simm.s32 $0x0;
	(v2sf) =	vpush v63, $0x3  }
0x23: {  	s8 =	simm.s32 $0x8400;
	s7 =	simm.s32 $0x680;
	s6 =	simm.s32 $0x880  }
0x24: {  	s5 =	simm.s32 $0x400;
	s10 =	simm.s32 $0x600;
	s20 =	simm.s32 $0x480  }
0x25: {  	s22 =	simm.s32 $0x8480;
	s25 =	simm.s32 $0x500;
	s30 =	simm.s32 $0x8500  }
0x26: {  	s28 =	simm.s32 $0xA00;
	p0 =	por p1, p1;
	s9 =	spop (v2sf)  }
0x27: {  	s15 =	simm.s32 $0x8580;
	s9 =	sand.u32 $0x1FFFFFF0, s9;
	s11 =	spop (v2sf)  }
0x28: {  	(v2sf) =	vpush v1, $0x4;
	s9 =	sadd.s32 s3, s9;
	s11 =	sand.u32 $0x1FFFFFF0, s11;
	s12 =	spop (v2sf)  }
0x29: {  	[tilespmem:s5], [sflag:$0x1] =	stream.linear.gather [hbm4b:s9+s2], $0x80, $0x38;
	[tilespmem:$0x10400] =	vst v63  }
0x2a: {  	(v2sf) =	vpush v63, $0x4;
	s5 =	simm.s32 $0x8900;
	s16 =	sadd.s32 s4, s11;
	s21 =	spop (v2sf)  }
0x2b: {  	s17 =	sand.u32 $0x1FFFFFF0, s12;
	s12 =	simm.s32 $0x580;
	s23 =	spop (v2sf)  }
0x2c: {  	[tilespmem:s8], [sflag:$0x2] =	stream.linear.gather [hbm4b:s16+s2], $0x80, $0x38;
	[tilespmem:$0x10400] =	vst v63  }
0x2d: {  	(v2sf) =	vpush v1, $0x5;
	s11 =	sadd.s32 s3, s17;
	s9 =	sand.u32 $0x1FFFFFF0, s21;
	s24 =	spop (v2sf)  }
0x2e: {  	(v2sf) =	vpush v63, $0x5;
	[tilespmem:s20], [sflag:$0x1] =	stream.linear.gather [hbm4b:s11+s2], $0x80, $0x38;
	[tilespmem:$0x10400] =	vst v63  }
0x2f: {  	s9 =	sadd.s32 s4, s9;
	s31 =	spop (v2sf);
	s11 =	sand.u32 $0x1FFFFFF0, s23  }
0x30: {  	(v2sf) =	vpush v1, $0x6;
	[tilespmem:s22], [sflag:$0x2] =	stream.linear.gather [hbm4b:s9+s2], $0x80, $0x38;
	[tilespmem:$0x10400] =	vst v63  }
0x31: {  	s29 =	sand.u32 $0x1FFFFFF0, s24;
	s13 =	spop (v2sf);
	s26 =	sadd.s32 s3, s11  }
0x32: {  	(v2sf) =	vpush v63, $0x6;
	[tilespmem:s25], [sflag:$0x1] =	stream.linear.gather [hbm4b:s26+s2], $0x80, $0x38;
	[tilespmem:$0x10400] =	vst v63  }
0x33: {  	s11 =	sadd.s32 s4, s29;
	s29 =	simm.s32 $0x8680;
	s9 =	sand.u32 $0x1FFFFFF0, s31  }
0x34: {  	(v2sf) =	vpush v1, $0x7;
	[tilespmem:s30], [sflag:$0x2] =	stream.linear.gather [hbm4b:s11+s2], $0x80, $0x38;
	[tilespmem:$0x10400] =	vst v63  }
0x35: {  	s22 =	simm.s32 $0x8600;
	s9 =	sadd.s32 s3, s9;
	s11 =	sand.u32 $0x1FFFFFF0, s13  }
0x36: {  	[tilespmem:s12], [sflag:$0x1] =	stream.linear.gather [hbm4b:s9+s2], $0x80, $0x38;
	[tilespmem:$0x10400] =	vst v63  }
0x37: {  	s31 =	simm.s32 $0x700;
	s16 =	sadd.s32 s4, s11;
	s14 =	spop (v2sf)  }
0x38: {  	(v2sf) =	vpush v63, $0x7;
	[tilespmem:s15], [sflag:$0x2] =	stream.linear.gather [hbm4b:s16+s2], $0x80, $0x38;
	[tilespmem:$0x10400] =	vst v63  }
0x39: {  	s13 =	simm.s32 $0xA80;
	s17 =	sand.u32 $0x1FFFFFF0, s14;
	s20 =	spop (v2sf)  }
0x3a: {  	(v2sf) =	vpush v1, $0x8;
	s14 =	simm.s32 $0x8700;
	s21 =	sadd.s32 s3, s17;
	s8 =	sand.u32 $0x1FFFFFF0, s20  }
0x3b: {  	(v2sf) =	vpush v63, $0x8;
	[tilespmem:s10], [sflag:$0x1] =	stream.linear.gather [hbm4b:s21+s2], $0x80, $0x38;
	[tilespmem:$0x10400] =	vst v63  }
0x3c: {  	s17 =	simm.s32 $0x780;
	s23 =	spop (v2sf);
	s8 =	sadd.s32 s4, s8  }
0x3d: {  	s10 =	sand.u32 $0x1FFFFFF0, s23;
	s24 =	spop (v2sf);
	(v2sf) =	vpush v1, $0x9;
	s21 =	simm.s32 $0x8780  }
0x3e: {  	[tilespmem:s22], [sflag:$0x2] =	stream.linear.gather [hbm4b:s8+s2], $0x80, $0x38;
	[tilespmem:$0x10400] =	vst v63  }
0x3f: {  	s25 =	sadd.s32 s3, s10;
	s26 =	sand.u32 $0x1FFFFFF0, s24;
	s30 =	spop (v2sf);
	(v2sf) =	vpush v63, $0x9  }
0x40: {  	[tilespmem:s7], [sflag:$0x1] =	stream.linear.gather [hbm4b:s25+s2], $0x80, $0x38;
	[tilespmem:$0x10400] =	vst v63  }
0x41: {  	s9 =	sadd.s32 s4, s26;
	(v2sf) =	vpush v1, $0xA;
	s8 =	sand.u32 $0x1FFFFFF0, s30;
	s10 =	spop (v2sf)  }
0x42: {  	[tilespmem:s29], [sflag:$0x2] =	stream.linear.gather [hbm4b:s9+s2], $0x80, $0x38;
	[tilespmem:$0x10400] =	vst v63  }
0x43: {  	s8 =	sadd.s32 s3, s8;
	s11 =	spop (v2sf);
	(v2sf) =	vpush v63, $0xA;
	s9 =	sand.u32 $0x1FFFFFF0, s10  }
0x44: {  	[tilespmem:s31], [sflag:$0x1] =	stream.linear.gather [hbm4b:s8+s2], $0x80, $0x38;
	[tilespmem:$0x10400] =	vst v63  }
0x45: {  	s24 =	simm.s32 $0x800;
	s16 =	sand.u32 $0x1FFFFFF0, s11;
	s15 =	sadd.s32 s4, s9  }
0x46: {  	[tilespmem:s14], [sflag:$0x2] =	stream.linear.gather [hbm4b:s15+s2], $0x80, $0x38;
	[tilespmem:$0x10400] =	vst v63  }
0x47: {  	s29 =	simm.s32 $0x8800;
	s9 =	sadd.s32 s3, s16;
	s20 =	spop (v2sf);
	(v2sf) =	vpush v1, $0xB  }
0x48: {  	[tilespmem:s17], [sflag:$0x1] =	stream.linear.gather [hbm4b:s9+s2], $0x80, $0x38;
	[tilespmem:$0x10400] =	vst v63  }
0x49: {  	s15 =	simm.s32 $0x8880;
	(v2sf) =	vpush v63, $0xB;
	s8 =	sand.u32 $0x1FFFFFF0, s20;
	s22 =	spop (v2sf)  }
0x4a: {  	s8 =	sadd.s32 s4, s8;
	s9 =	sand.u32 $0x1FFFFFF0, s22;
	s23 =	spop (v2sf)  }
0x4b: {  	[tilespmem:s21], [sflag:$0x2] =	stream.linear.gather [hbm4b:s8+s2], $0x80, $0x38;
	[tilespmem:$0x10400] =	vst v63  }
0x4c: {  	s25 =	sadd.s32 s3, s9;
	s26 =	sand.u32 $0x1FFFFFF0, s23;
	s30 =	spop (v2sf)  }
0x4d: {  	[tilespmem:s24], [sflag:$0x1] =	stream.linear.gather [hbm4b:s25+s2], $0x80, $0x38;
	[tilespmem:$0x10400] =	vst v63  }
0x4e: {  	(v2sf) =	vpush v1, $0xC;
	s9 =	sadd.s32 s4, s26;
	s8 =	sand.u32 $0x1FFFFFF0, s30;
	s10 =	spop (v2sf)  }
0x4f: {  	(v2sf) =	vpush v63, $0xC;
	[tilespmem:s29], [sflag:$0x2] =	stream.linear.gather [hbm4b:s9+s2], $0x80, $0x38;
	[tilespmem:$0x10400] =	vst v63  }
0x50: {  	s8 =	sadd.s32 s3, s8;
	s14 =	spop (v2sf);
	s9 =	sand.u32 $0x1FFFFFF0, s10  }
0x51: {  	[tilespmem:s6], [sflag:$0x1] =	stream.linear.gather [hbm4b:s8+s2], $0x80, $0x38;
	[tilespmem:$0x10400] =	vst v63  }
0x52: {  	s17 =	sand.u32 $0x1FFFFFF0, s14;
	s21 =	spop (v2sf);
	s16 =	sadd.s32 s4, s9  }
0x53: {  	[tilespmem:s15], [sflag:$0x2] =	stream.linear.gather [hbm4b:s16+s2], $0x80, $0x38;
	[tilespmem:$0x10400] =	vst v63  }
0x54: {  	s20 =	simm.s32 $0x900;
	s9 =	sadd.s32 s3, s17;
	s22 =	sand.u32 $0x1FFFFFF0, s21  }
0x55: {  	[tilespmem:s20], [sflag:$0x1] =	stream.linear.gather [hbm4b:s9+s2], $0x80, $0x38;
	[tilespmem:$0x10400] =	vst v63  }
0x56: {  	s12 =	simm.s32 $0x8A00;
	s6 =	sadd.s32 s4, s22;
	s23 =	spop (v2sf)  }
0x57: {  	[tilespmem:s5], [sflag:$0x2] =	stream.linear.gather [hbm4b:s6+s2], $0x80, $0x38;
	[tilespmem:$0x10400] =	vst v63  }
0x58: {  	s31 =	simm.s32 $0x8980;
	s7 =	sand.u32 $0x1FFFFFF0, s23;
	s24 =	spop (v2sf)  }
0x59: {  	s25 =	simm.s32 $0x980;
	(v2sf) =	vpush v1, $0xD;
	s26 =	sadd.s32 s3, s7;
	s29 =	sand.u32 $0x1FFFFFF0, s24  }
0x5a: {  	(v2sf) =	vpush v63, $0xD;
	[tilespmem:s25], [sflag:$0x1] =	stream.linear.gather [hbm4b:s26+s2], $0x80, $0x38;
	[tilespmem:$0x10400] =	vst v63  }
0x5b: {  	s22 =	sadd.s32 $0x10, s1;
	s16 =	simm.s32 $0x8A80;
	(v2sf) =	vpush v1, $0xE;
	s30 =	sadd.s32 s4, s29  }
0x5c: {  	(v2sf) =	vpush v63, $0xE;
	[tilespmem:s31], [sflag:$0x2] =	stream.linear.gather [hbm4b:s30+s2], $0x80, $0x38;
	[tilespmem:$0x10400] =	vst v63  }
0x5d: {  	s23 =	sadd.s32 $0x10, s0;
	s26 =	simm.s32 $0xB00;
	(v2sf) =	vpush v1, $0xF;
	s31 =	spop (v2sf)  }
0x5e: {  	s25 =	simm.s32 $0x8B00;
	(v2sf) =	vpush v63, $0xF;
	s0 =	sand.u32 $0x1FFFFFF0, s31;
	s1 =	spop (v2sf)  }
.LBB2_3:
0x5f: {  	_ =	sdelay $0x4  }
0x60: {  	s0 =	sadd.s32 s3, s0;
	s1 =	sand.u32 $0x1FFFFFF0, s1  }
0x61: {  	[tilespmem:s28], [sflag:$0x1] =	stream.linear.gather [hbm4b:s0+s2], $0x80, $0x38;
	[tilespmem:$0x10400] =	vst v63  }
0x62: {  	s14 =	sadd.s32 s4, s1  }
0x63: {  	[tilespmem:s12], [sflag:$0x2] =	stream.linear.gather [hbm4b:s14+s2], $0x80, $0x38;
	[tilespmem:$0x10400] =	vst v63  }
0x64: {  	s5 =	spop (v2sf)  }
0x65: {  	s15 =	sand.u32 $0x1FFFFFF0, s5;
	s17 =	spop (v2sf)  }
0x66: {  	s20 =	sadd.s32 s3, s15;
	s21 =	sand.u32 $0x1FFFFFF0, s17;
	s24 =	spop (v2sf)  }
0x67: {  	[tilespmem:s13], [sflag:$0x1] =	stream.linear.gather [hbm4b:s20+s2], $0x80, $0x38;
	[tilespmem:$0x10400] =	vst v63  }
0x68: {  	s29 =	sadd.s32 s4, s21;
	s30 =	sand.u32 $0x1FFFFFF0, s24;
	s31 =	spop (v2sf)  }
0x69: {  	[tilespmem:s16], [sflag:$0x2] =	stream.linear.gather [hbm4b:s29+s2], $0x80, $0x38;
	[tilespmem:$0x10400] =	vst v63  }
0x6a: {  	s1 =	sadd.s32 s3, s30;
	s5 =	sand.u32 $0x1FFFFFF0, s31;
	s6 =	spop (v2sf)  }
0x6b: {  	[tilespmem:s26], [sflag:$0x1] =	stream.linear.gather [hbm4b:s1+s2], $0x80, $0x38;
	[tilespmem:$0x10400] =	vst v63  }
0x6c: {  	s7 =	sadd.s32 s4, s5;
	s8 =	sand.u32 $0x1FFFFFF0, s6;
	s9 =	spop (v2sf)  }
0x6d: {  	[tilespmem:s25], [sflag:$0x2] =	stream.linear.gather [hbm4b:s7+s2], $0x80, $0x38;
	[tilespmem:$0x10400] =	vst v63  }
0x6e: {  	s10 =	sadd.s32 $0xB80, s18;
	s5 =	sand.u32 $0x1FFFFFF0, s9;
	s1 =	sadd.s32 s3, s8  }
0x6f: {  	[tilespmem:s10], [sflag:$0x1] =	stream.linear.gather [hbm4b:s1+s2], $0x80, $0x38;
	[tilespmem:$0x10400] =	vst v63  }
0x70: {  	s11 =	sadd.s32 $0x8B80, s18;
	s12 =	sadd.s32 s4, s5  }
0x71: {  	[tilespmem:s11], [sflag:$0x2] =	stream.linear.gather [hbm4b:s12+s2], $0x80, $0x38;
	[tilespmem:$0x10400] =	vst v63  }
0x72: {  	v0 =	vld [tilespmem:s22+$0x0]  }
0x73: {  	v2 =	vld [tilespmem:s23+$0x0];
	_ =	sdelay $0x3  }
0x74: {  	v1 =	vshll.u32 v0, $0x4  }
0x75: {  	v63 =	vshll.u32 v2, $0x4;
	(v2sf) =	vpush v1, $0x0  }
0x76: {  	s13 =	smov.u32 s19;
	(v2sf) =	vpush v63, $0x0  }
0x77: {  	s18 =	sshra.s32 s13, $0x2;
	(v2sf) =	vpush v1, $0x1  }
0x78: {  	p1 =	sne.s32 s19, $0x1E000;
	s19 =	sadd.s32 $0x2000, s19;
	s30 =	sadd.s32 $0x8400, s18  }
0x79: {  	s0 =	sadd.s32 $0x680, s18;
	s14 =	sadd.s32 $0x880, s18;
	s29 =	sadd.s32 $0x400, s18;
	(v2sf) =	vpush v63, $0x1  }
0x7a: {  	s15 =	sadd.s32 $0x8900, s18;
	s17 =	sadd.s32 $0x580, s18;
	s20 =	sadd.s32 $0x500, s18  }
0x7b: {  	s13 =	sadd.s32 $0xA80, s18;
	s31 =	sadd.s32 $0x8480, s18;
	[dreg:$0xb] =	wrdreg s0;
	(v2sf) =	vpush v1, $0x2  }
0x7c: {  	s6 =	sadd.s32 $0x8680, s18;
	s16 =	sadd.s32 $0x8980, s18;
	[dreg:$0x6] =	wrdreg s14;
	(v2sf) =	vpush v63, $0x2  }
0x7d: {  	s21 =	sadd.s32 $0x8880, s18;
	s24 =	sadd.s32 $0x900, s18;
	[dreg:$0x4] =	wrdreg s15  }
0x7e: {  	s28 =	sadd.s32 $0xA00, s18;
	s9 =	sadd.s32 $0x600, s18;
	[dreg:$0x5] =	wrdreg s16;
	(v2sf) =	vpush v1, $0x3  }
0x7f: {  	s0 =	sadd.s32 $0x8500, s18;
	s16 =	sadd.s32 $0x8A80, s18;
	[dreg:$0x8] =	wrdreg s21  }
0x80: {  	s15 =	sadd.s32 $0x8700, s18;
	[dreg:$0x7] =	wrdreg s24;
	s26 =	sadd.s32 $0x8780, s18;
	(v2sf) =	vpush v63, $0x3  }
0x81: {  	s14 =	sadd.s32 $0x780, s18;
	[dreg:$0xc] =	wrdreg s26;
	s25 =	sadd.s32 $0x8800, s18  }
0x82: {  	s5 =	sadd.s32 $0x8A00, s18;
	s7 =	sadd.s32 $0x800, s18;
	[dreg:$0x9] =	wrdreg s25  }
0x83: {  	s8 =	sadd.s32 $0x8600, s18;
	s26 =	sadd.s32 $0xB00, s18;
	[dreg:$0xa] =	wrdreg s7  }
0x84: {  	s25 =	sadd.s32 $0x8B00, s18;
	s10 =	sadd.s32 $0x700, s18;
	(v2sf) =	vpush v1, $0x4;
	s21 =	spop (v2sf)  }
0x85: {  	s12 =	sadd.s32 $0x480, s18;
	s21 =	sand.u32 $0x1FFFFFF0, s21;
	s24 =	spop (v2sf)  }
0x86: {  	(v2sf) =	vpush v63, $0x4;
	s21 =	sadd.s32 s3, s21;
	s24 =	sand.u32 $0x1FFFFFF0, s24;
	s7 =	spop (v2sf)  }
0x87: {  	[tilespmem:s29], [sflag:$0x1] =	stream.linear.gather [hbm4b:s21+s2], $0x80, $0x38;
	[tilespmem:$0x10400] =	vst v63  }
0x88: {  	(v2sf) =	vpush v1, $0x5;
	s24 =	sadd.s32 s4, s24;
	s7 =	sand.u32 $0x1FFFFFF0, s7;
	s29 =	spop (v2sf)  }
0x89: {  	(v2sf) =	vpush v63, $0x5;
	[tilespmem:s30], [sflag:$0x2] =	stream.linear.gather [hbm4b:s24+s2], $0x80, $0x38;
	[tilespmem:$0x10400] =	vst v63  }
0x8a: {  	s7 =	sadd.s32 s3, s7;
	s29 =	sand.u32 $0x1FFFFFF0, s29;
	s30 =	spop (v2sf)  }
0x8b: {  	(v2sf) =	vpush v1, $0x6;
	s21 =	sadd.s32 s4, s29;
	s29 =	sand.u32 $0x1FFFFFF0, s30;
	s30 =	spop (v2sf)  }
0x8c: {  	[tilespmem:s12], [sflag:$0x1] =	stream.linear.gather [hbm4b:s7+s2], $0x80, $0x38;
	[tilespmem:$0x10400] =	vst v63  }
0x8d: {  	s1 =	sadd.s32 $0x980, s18;
	s11 =	sadd.s32 $0x8580, s18;
	(v2sf) =	vpush v63, $0x6;
	s24 =	spop (v2sf)  }
0x8e: {  	(v2sf) =	vpush v1, $0x7;
	[tilespmem:s31], [sflag:$0x2] =	stream.linear.gather [hbm4b:s21+s2], $0x80, $0x38;
	[tilespmem:$0x10400] =	vst v63  }
0x8f: {  	s12 =	sadd.s32 s3, s29;
	s21 =	sand.u32 $0x1FFFFFF0, s30;
	s31 =	spop (v2sf)  }
0x90: {  	(v2sf) =	vpush v63, $0x7;
	[tilespmem:s20], [sflag:$0x1] =	stream.linear.gather [hbm4b:s12+s2], $0x80, $0x38;
	[tilespmem:$0x10400] =	vst v63  }
0x91: {  	s22 =	sadd.s32 $0x10, s22;
	s30 =	sand.u32 $0x1FFFFFF0, s24;
	s29 =	sadd.s32 s4, s21  }
0x92: {  	[tilespmem:s0], [sflag:$0x2] =	stream.linear.gather [hbm4b:s29+s2], $0x80, $0x38;
	[tilespmem:$0x10400] =	vst v63  }
0x93: {  	s7 =	sadd.s32 s3, s30;
	s12 =	sand.u32 $0x1FFFFFF0, s31;
	s20 =	spop (v2sf)  }
0x94: {  	(v2sf) =	vpush v1, $0x8;
	[tilespmem:s17], [sflag:$0x1] =	stream.linear.gather [hbm4b:s7+s2], $0x80, $0x38;
	[tilespmem:$0x10400] =	vst v63  }
0x95: {  	s23 =	sadd.s32 $0x10, s23;
	s21 =	sadd.s32 s4, s12;
	s29 =	spop (v2sf)  }
0x96: {  	[tilespmem:s11], [sflag:$0x2] =	stream.linear.gather [hbm4b:s21+s2], $0x80, $0x38;
	[tilespmem:$0x10400] =	vst v63  }
0x97: {  	s24 =	sand.u32 $0x1FFFFFF0, s20;
	s12 =	smov.u32 s5;
	s5 =	spop (v2sf)  }
0x98: {  	s30 =	sadd.s32 s3, s24;
	(v2sf) =	vpush v63, $0x8;
	s31 =	sand.u32 $0x1FFFFFF0, s29;
	s17 =	spop (v2sf)  }
0x99: {  	(v2sf) =	vpush v1, $0x9;
	[tilespmem:s9], [sflag:$0x1] =	stream.linear.gather [hbm4b:s30+s2], $0x80, $0x38;
	[tilespmem:$0x10400] =	vst v63  }
0x9a: {  	s29 =	rddreg [dreg:$0xb];
	s9 =	sadd.s32 s4, s31;
	s24 =	spop (v2sf)  }
0x9b: {  	[tilespmem:s8], [sflag:$0x2] =	stream.linear.gather [hbm4b:s9+s2], $0x80, $0x38;
	[tilespmem:$0x10400] =	vst v63  }
0x9c: {  	s11 =	sand.u32 $0x1FFFFFF0, s5;
	s21 =	sand.u32 $0x1FFFFFF0, s17;
	s5 =	spop (v2sf)  }
0x9d: {  	(v2sf) =	vpush v63, $0x9;
	s20 =	sadd.s32 s3, s11;
	s30 =	sadd.s32 s4, s21;
	s8 =	spop (v2sf)  }
0x9e: {  	[tilespmem:s29], [sflag:$0x1] =	stream.linear.gather [hbm4b:s20+s2], $0x80, $0x38;
	[tilespmem:$0x10400] =	vst v63  }
0x9f: {  	(v2sf) =	vpush v1, $0xA;
	s31 =	sand.u32 $0x1FFFFFF0, s24;
	s7 =	sand.u32 $0x1FFFFFF0, s5;
	s11 =	spop (v2sf)  }
0xa0: {  	[tilespmem:s6], [sflag:$0x2] =	stream.linear.gather [hbm4b:s30+s2], $0x80, $0x38;
	[tilespmem:$0x10400] =	vst v63  }
0xa1: {  	(v2sf) =	vpush v63, $0xA;
	s9 =	sadd.s32 s4, s7;
	s6 =	sadd.s32 s3, s31;
	s20 =	sand.u32 $0x1FFFFFF0, s11  }
0xa2: {  	[tilespmem:s10], [sflag:$0x1] =	stream.linear.gather [hbm4b:s6+s2], $0x80, $0x38;
	[tilespmem:$0x10400] =	vst v63  }
0xa3: {  	s31 =	rddreg [dreg:$0xc];
	s21 =	spop (v2sf);
	s10 =	sand.u32 $0x1FFFFFF0, s8  }
0xa4: {  	[tilespmem:s15], [sflag:$0x2] =	stream.linear.gather [hbm4b:s9+s2], $0x80, $0x38;
	[tilespmem:$0x10400] =	vst v63  }
0xa5: {  	(v2sf) =	vpush v1, $0xB;
	s24 =	sadd.s32 s4, s20;
	s29 =	sand.u32 $0x1FFFFFF0, s21;
	s17 =	sadd.s32 s3, s10  }
0xa6: {  	[tilespmem:s14], [sflag:$0x1] =	stream.linear.gather [hbm4b:s17+s2], $0x80, $0x38;
	[tilespmem:$0x10400] =	vst v63  }
0xa7: {  	(v2sf) =	vpush v63, $0xB;
	s5 =	sadd.s32 s3, s29;
	s9 =	rddreg [dreg:$0xa];
	s30 =	spop (v2sf)  }
0xa8: {  	(v2sf) =	vpush v1, $0xC;
	s15 =	rddreg [dreg:$0x9];
	s6 =	sand.u32 $0x1FFFFFF0, s30;
	s8 =	spop (v2sf)  }
0xa9: {  	[tilespmem:s31], [sflag:$0x2] =	stream.linear.gather [hbm4b:s24+s2], $0x80, $0x38;
	[tilespmem:$0x10400] =	vst v63  }
0xaa: {  	(v2sf) =	vpush v63, $0xC;
	s10 =	sadd.s32 s4, s6;
	s11 =	sand.u32 $0x1FFFFFF0, s8;
	s24 =	rddreg [dreg:$0x6]  }
0xab: {  	[tilespmem:s9], [sflag:$0x1] =	stream.linear.gather [hbm4b:s5+s2], $0x80, $0x38;
	[tilespmem:$0x10400] =	vst v63  }
0xac: {  	s14 =	spop (v2sf);
	s8 =	rddreg [dreg:$0x8];
	s17 =	sadd.s32 s3, s11  }
0xad: {  	[tilespmem:s15], [sflag:$0x2] =	stream.linear.gather [hbm4b:s10+s2], $0x80, $0x38;
	[tilespmem:$0x10400] =	vst v63  }
0xae: {  	s20 =	sand.u32 $0x1FFFFFF0, s14;
	s14 =	rddreg [dreg:$0x7];
	s21 =	spop (v2sf)  }
0xaf: {  	[tilespmem:s24], [sflag:$0x1] =	stream.linear.gather [hbm4b:s17+s2], $0x80, $0x38;
	[tilespmem:$0x10400] =	vst v63  }
0xb0: {  	s29 =	sadd.s32 s4, s20;
	s30 =	sand.u32 $0x1FFFFFF0, s21;
	s31 =	spop (v2sf)  }
0xb1: {  	[tilespmem:s8], [sflag:$0x2] =	stream.linear.gather [hbm4b:s29+s2], $0x80, $0x38;
	[tilespmem:$0x10400] =	vst v63  }
0xb2: {  	s21 =	rddreg [dreg:$0x4];
	s9 =	sadd.s32 s3, s30;
	s10 =	sand.u32 $0x1FFFFFF0, s31  }
0xb3: {  	[tilespmem:s14], [sflag:$0x1] =	stream.linear.gather [hbm4b:s9+s2], $0x80, $0x38;
	[tilespmem:$0x10400] =	vst v63  }
0xb4: {  	s11 =	spop (v2sf);
	s31 =	rddreg [dreg:$0x5];
	s15 =	sadd.s32 s4, s10  }
0xb5: {  	(v2sf) =	vpush v1, $0xD;
	[tilespmem:s21], [sflag:$0x2] =	stream.linear.gather [hbm4b:s15+s2], $0x80, $0x38;
	[tilespmem:$0x10400] =	vst v63  }
.Ltmp0:
0xb6: {  	(v2sf) =	vpush v63, $0xD;
	s17 =	sand.u32 $0x1FFFFFF0, s11;
	s20 =	spop (v2sf);
	(pc) =	sbr.rel @p1 .LBB2_3-.Ltmp0, $4  }
0xb7: {  	(v2sf) =	vpush v1, $0xE;
	s24 =	sadd.s32 s3, s17;
	s29 =	sand.u32 $0x1FFFFFF0, s20;
	s30 =	spop (v2sf)  }
0xb8: {  	(v2sf) =	vpush v63, $0xE;
	[tilespmem:s1], [sflag:$0x1] =	stream.linear.gather [hbm4b:s24+s2], $0x80, $0x38;
	[tilespmem:$0x10400] =	vst v63  }
0xb9: {  	(v2sf) =	vpush v1, $0xF;
	s5 =	sadd.s32 s4, s29;
	s0 =	sand.u32 $0x1FFFFFF0, s30;
	s1 =	spop (v2sf)  }
0xba: {  	(v2sf) =	vpush v63, $0xF;
	[tilespmem:s31], [sflag:$0x2] =	stream.linear.gather [hbm4b:s5+s2], $0x80, $0x38;
	[tilespmem:$0x10400] =	vst v63  }
0xbb: {  	_ =	sdelay $0x4  }
0xbc: {  	s0 =	sadd.s32 s3, s0;
	s1 =	sand.u32 $0x1FFFFFF0, s1  }
0xbd: {  	[tilespmem:s28], [sflag:$0x1] =	stream.linear.gather [hbm4b:s0+s2], $0x80, $0x38;
	[tilespmem:$0x10400] =	vst v63  }
0xbe: {  	s29 =	sadd.s32 s4, s1  }
0xbf: {  	[tilespmem:s12], [sflag:$0x2] =	stream.linear.gather [hbm4b:s29+s2], $0x80, $0x38;
	[tilespmem:$0x10400] =	vst v63  }
0xc0: {  	s5 =	spop (v2sf)  }
0xc1: {  	s30 =	sand.u32 $0x1FFFFFF0, s5;
	s31 =	spop (v2sf)  }
0xc2: {  	s6 =	sadd.s32 s3, s30;
	s7 =	sand.u32 $0x1FFFFFF0, s31;
	s8 =	spop (v2sf)  }
0xc3: {  	[tilespmem:s13], [sflag:$0x1] =	stream.linear.gather [hbm4b:s6+s2], $0x80, $0x38;
	[tilespmem:$0x10400] =	vst v63  }
0xc4: {  	s9 =	sadd.s32 s4, s7;
	s10 =	sand.u32 $0x1FFFFFF0, s8;
	s11 =	spop (v2sf)  }
0xc5: {  	[tilespmem:s16], [sflag:$0x2] =	stream.linear.gather [hbm4b:s9+s2], $0x80, $0x38;
	[tilespmem:$0x10400] =	vst v63  }
0xc6: {  	s12 =	sadd.s32 s3, s10;
	s13 =	sand.u32 $0x1FFFFFF0, s11;
	s14 =	spop (v2sf)  }
0xc7: {  	[tilespmem:s26], [sflag:$0x1] =	stream.linear.gather [hbm4b:s12+s2], $0x80, $0x38;
	[tilespmem:$0x10400] =	vst v63  }
0xc8: {  	s15 =	sadd.s32 s4, s13;
	s16 =	sand.u32 $0x1FFFFFF0, s14;
	s17 =	spop (v2sf)  }
0xc9: {  	[tilespmem:s25], [sflag:$0x2] =	stream.linear.gather [hbm4b:s15+s2], $0x80, $0x38;
	[tilespmem:$0x10400] =	vst v63  }
0xca: {  	s19 =	sadd.s32 $0xB80, s18;
	s1 =	sadd.s32 s3, s16;
	s5 =	sand.u32 $0x1FFFFFF0, s17  }
0xcb: {  	[tilespmem:s19], [sflag:$0x1] =	stream.linear.gather [hbm4b:s1+s2], $0x80, $0x38;
	[tilespmem:$0x10400] =	vst v63  }
0xcc: {  	s20 =	sadd.s32 $0x8B80, s18;
	s22 =	simm.s32 $0x1;
	s21 =	sadd.s32 s4, s5  }
0xcd: {  	[tilespmem:s20], [sflag:$0x2] =	stream.linear.gather [hbm4b:s21+s2], $0x80, $0x38;
	[tilespmem:$0x10400] =	vst v63  }
0xce: {  	_ =	swait.ge [sflag:s22], $0x8000  }
0xcf: {  	[sflag:s22] =	ssyncset.done $0x0  }
0xd0: {  	s23 =	simm.s32 $0x2;
	[sflag:s22] =	ssyncadd.s32 $0xFFFF8000  }
0xd1: {  	_ =	swait.ge [sflag:s23], $0x8000  }
0xd2: {  	s24 =	rddreg [dreg:$0x14]  }
0xd3: {  	s28 =	simm.s32 $0x400;
	s25 =	rddreg [dreg:$0x11];
	s0 =	sshll.u32 s24, $0xC  }
0xd4: {  	[sflag:s23] =	ssyncset.done $0x0;
	s26 =	rddreg [dreg:$0xd];
	s0 =	sor.u32 s25, s0  }
0xd5: {  	s29 =	simm.s32 $0x3;
	[sflag:s23] =	ssyncadd.s32 $0xFFFF8000;
	s1 =	sadd.s32 s26, s0  }
0xd6: {  	[hbm4b:s1+s2] =	stream.linear.scatter [tilespmem:s28], [sflag:$0x3], $0x8000, $0x38;
	[tilespmem:$0x10400] =	vst v63  }
0xd7: {  	_ =	swait.ge [sflag:s29], $0x8000  }
0xd8: {  	s31 =	simm.s32 $0x8400;
	[sflag:s29] =	ssyncset.done $0x0;
	s30 =	rddreg [dreg:$0xe]  }
.Ltmp1:
0xd9: {  	[sflag:s29] =	ssyncadd.s32 $0xFFFF8000;
	s0 =	sadd.s32 s30, s0;
	(pc) =	sbr.rel @p0 .LBB2_2-.Ltmp1, $4  }
0xda: {  	[hbm4b:s0+s2] =	stream.linear.scatter [tilespmem:s31], [sflag:$0x3], $0x8000, $0x38;
	[tilespmem:$0x10400] =	vst v63  }
0xdb: {  	_ =	swait.ge [sflag:s29], $0x8000  }
0xdc: {  	[sflag:s29] =	ssyncset.done $0x0  }
0xdd: {  	p1 =	por $0x0, $0x0;
	s0 =	simm.s32 $0x1;
	[sflag:s29] =	ssyncadd.s32 $0xFFFF8000  }
0xde: {  	s1 =	rddreg [dreg:$0x13]  }
0xdf: {  	s0 =	rddreg [dreg:$0x12];
	s1 =	sadd.s32 $0x1, s1  }
0xe0: {  	p0 =	sne.s32 s1, s0  }
.Ltmp2:
0xe1: {  	_ = 	snop;
	(pc) =	sbr.rel @p0 .LBB2_1-.Ltmp2, $1  }
0xe2: {  	_ =	sdelay $0x3  }
0xe3: {  	_ =	sfence.sel $0x180000  }
0xe4: {  	[bflag:$0x0] =	sbarrier.arrive $0xFFFF  }
0xe5: {  	_ =	strace $0x90000047  }
0xe6: {  	s0 =	stileid.u32;
	[bflag:$0x2] =	sbarrier.arrive $0xFFFF  }
0xe7: {  	p0 =	sne.s32 s0, $0x0;
	s0 =	rddreg [dreg:$0x3]  }
0xe8: {  	s0 =	sadd.s32 @!p0 $0x100000, s0  }
0xe9: {  	[sflag:s0] =	ssyncadd.tile.s32 @!p0 $0x1;
	_ =	shalt  }
.Lfunc_end2:
_tile_overlayer_lowered:
.L_overlay_start_2:
0xea: {  	(tag) =	ssettag $0x2  }
0xeb: {  	s0 =	rddreg [dreg:$0x0];
	s2 =	stileid.u32  }
0xec: {  	s1 =	rddreg [dreg:$0x1];
	p0 =	sne.s32 s2, $0x0  }
0xed: {  	s3 =	rddreg [dreg:$0x2];
	[bflag:$0x3] =	sbarrier.arrive $0xFFFF;
	s2 =	simm.s32 @!p0 $0x1C03  }
0xee: {  	[timem:s3], [sflag:s2] =	dma.local @!p0 [hbm:s0], s1  }
0xef: {  	s0 =	simm.s32 @!p0 $0x3  }
0xf0: {  	_ =	swait.ge @!p0 [sflag:s0], s1  }
0xf1: {  	s1 =	ssub.s32 @!p0 $0x0, s1;
	[sflag:s0] =	ssyncset.done @!p0 $0x0  }
0xf2: {  	[sflag:s0] =	ssyncadd.s32 @!p0 s1  }
0xf3: {  	[bflag:$0x3] =	sbarrier.arrive $0xFFFF  }
0xf4: {  	_ =	shalt  }

</sc_bundles>
